<compile_context>
chip_gen: v7x
topology: tpu7x:2x2x1
jax: 0.10.2.dev20260603
libtpu: 0.0.44.dev20260713+nightly
codegen_flags: <defaults>
</compile_context>

<pallas_src>
import functools

import jax
import jax.numpy as jnp
from jax import lax
from jax.experimental import pallas as pl
from jax.experimental.pallas import tpu as pltpu
from jax.experimental.pallas import tpu_sc as plsc

_N = 16384
_D = 256
_K = 8192
_TN = 512
_WINDOWS = ((0, 2736), (2736, 5472), (5472, 8192))


def _argmin_body(x_ref, cb_ref, rn_ref, cbn0_ref, cbn1_ref, cbn2_ref,
                 idx_ref, msum_ref):
    step = pl.program_id(0)

    @pl.when(step == 0)
    def _():
        msum_ref[0, 0] = 0.0

    x = x_ref[...]
    rn = rn_ref[0, 0, :][:, None]
    cbns = (cbn0_ref, cbn1_ref, cbn2_ref)

    accv = jnp.full((_TN,), jnp.inf, jnp.float32)
    acct = jnp.zeros((_TN,), jnp.float32)
    acci = jnp.zeros((_TN,), jnp.int32)
    for w, (lo, hi) in enumerate(_WINDOWS):
        mm = lax.dot_general(x, cb_ref[lo:hi, :], (((1,), (1,)), ((), ())),
                             preferred_element_type=jnp.float32)
        d2 = (rn - 2.0 * mm) + cbns[w][...]
        m = d2.min(axis=1)
        a = jnp.argmin(d2, axis=1).astype(jnp.int32) + lo
        win = m < accv
        accv = jnp.where(win, m.astype(jnp.bfloat16).astype(jnp.float32), accv)
        acct = jnp.where(win, m, acct)
        acci = jnp.where(win, a, acci)

    idx_ref[0, 0, :] = acci
    msum_ref[0, 0] += jnp.sum(acct)


def _argmin_call(flat, codebook, rn, cbn_slices):
    n = flat.shape[0]
    nb = n // _TN
    return pl.pallas_call(
        _argmin_body,
        grid=(nb,),
        in_specs=[
            pl.BlockSpec((_TN, _D), lambda i: (i, 0)),
            pl.BlockSpec((_K, _D), lambda i: (0, 0)),
            pl.BlockSpec((1, 1, _TN), lambda i: (i, 0, 0)),
        ] + [pl.BlockSpec((1, hi - lo), lambda i: (0, 0))
             for lo, hi in _WINDOWS],
        out_specs=[
            pl.BlockSpec((1, 1, _TN), lambda i: (i, 0, 0)),
            pl.BlockSpec((1, 1), lambda i: (0, 0), memory_space=pltpu.SMEM),
        ],
        out_shape=[
            jax.ShapeDtypeStruct((nb, 1, _TN), jnp.int32),
            jax.ShapeDtypeStruct((1, 1), jnp.float32),
        ],
        compiler_params=pltpu.CompilerParams(
            dimension_semantics=("arbitrary",)),
    )(flat, codebook, rn.reshape(nb, 1, _TN), *cbn_slices)


_CH = 128


def _gather_call(codebook, idx):
    n = idx.shape[0]
    info = plsc.get_sparse_core_info()
    nw = info.num_cores * info.num_subcores
    b_per_w = n // nw
    nch = b_per_w // _CH
    mesh = plsc.VectorSubcoreMesh(core_axis_name="c", subcore_axis_name="s")

    @functools.partial(
        pl.kernel, mesh=mesh,
        out_type=jax.ShapeDtypeStruct((n, _D), jnp.float32),
        scratch_types=[
            pltpu.VMEM((nch, _CH), jnp.int32),
            pltpu.VMEM((_CH, _D), jnp.float32),
            pltpu.SemaphoreType.DMA,
        ],
    )
    def k(table_hbm, idx_hbm, out_hbm, idx_v, rows_v, sem):
        wid = lax.axis_index("s") * info.num_cores + lax.axis_index("c")
        base = wid * b_per_w
        pltpu.sync_copy(idx_hbm.at[pl.ds(wid * nch, nch)], idx_v)
        for c in range(nch):
            pltpu.async_copy(table_hbm.at[idx_v.at[c]], rows_v, sem).wait()
            pltpu.sync_copy(rows_v, out_hbm.at[pl.ds(base + c * _CH, _CH)])

    return k(codebook, idx.reshape(n // _CH, _CH))


def kernel(latent, codebook):
    b, c, h, w = latent.shape
    flat = jnp.transpose(latent, (0, 2, 3, 1)).reshape(-1, c)
    rn = jnp.sum(flat * flat, axis=1)
    cbn = jnp.sum(codebook * codebook, axis=1).reshape(1, _K)
    cbn_slices = [cbn[:, lo:hi] for lo, hi in _WINDOWS]

    idx3, msum = _argmin_call(flat, codebook, rn, cbn_slices)
    q = _gather_call(codebook, idx3.reshape(-1))
    loss = msum[0, 0] / jnp.float32(_N * _D)
    out = q.reshape(b, h, w, c).transpose(0, 3, 1, 2)
    return out, loss, loss

# --- scband reference (transcript-rebuilt; emitter-appended) ---
"""Pipeline reference for scband-vector-quantizer-35983236005999 (READ-ONLY COPY).

The authoritative reference and input builder live on the scoring server;
editing this copy changes nothing except your own understanding.
"""

import jax, jax.numpy as jnp
import numpy as np

EMBEDDING_NUM = 8192
EMBEDDING_DIM = 256

def setup_inputs(seed: int = 0) -> dict:
    key = jax.random.key(seed)
    k1, k2 = jax.random.split(key)
    latent = jax.random.normal(k1, (16, 256, 32, 32), dtype=jnp.float32)
    # kaiming_normal_ on (K, D) with fan_in = D
    codebook = jax.random.normal(k2, (EMBEDDING_NUM, EMBEDDING_DIM), dtype=jnp.float32) * np.sqrt(2.0 / EMBEDDING_DIM)
    return {"latent": latent, "codebook": codebook}

def reference(latent, codebook):
    b, c, h, w = latent.shape
    # rearrange 'b c h w -> (b h w) c'
    flat = jnp.transpose(latent, (0, 2, 3, 1)).reshape(-1, c)
    # torch.cdist(flat, codebook).argmin(dim=1) == argmin of squared distances
    d2 = (jnp.sum(flat * flat, axis=1, keepdims=True)
          - 2.0 * (flat @ codebook.T)
          + jnp.sum(codebook * codebook, axis=1)[None, :])
    indices = jnp.argmin(d2, axis=1)
    latent_quantized = jnp.take(codebook, indices, axis=0)
    codebook_loss = jnp.mean((latent_quantized - jax.lax.stop_gradient(flat)) ** 2)
    commitment_loss = jnp.mean((jax.lax.stop_gradient(latent_quantized) - flat) ** 2)
    # straight-through estimator
    latent_quantized = flat + jax.lax.stop_gradient(latent_quantized - flat)
    # rearrange '(b h w) c -> b c h w'
    out = latent_quantized.reshape(b, h, w, c).transpose(0, 3, 1, 2)
    return (out, codebook_loss, commitment_loss)

if __name__ == "__main__":
    import jax
    _d = setup_inputs()
    print(jax.jit(kernel)(*tuple(_d.values())))

</pallas_src>

<mosaic_0001>
#map = affine_map<(d0, d1) -> (0, 0)>
module attributes {stable_mosaic.version = 14 : i64} {
  func.func @k(%arg0: i32, %arg1: i32, %arg2: memref<8192x256xf32, #tpu.memory_space<hbm>>, %arg3: memref<128x128xi32, #tpu.memory_space<hbm>>, %arg4: memref<16384x256xf32, #tpu.memory_space<hbm>>, %arg5: memref<4x128xi32, #tpu.memory_space<vmem>>, %arg6: memref<128x256xf32, #tpu.memory_space<vmem>>, %arg7: memref<!tpu.dma_semaphore, #tpu.memory_space<semaphore_mem>>) attributes {dimension_semantics = [#tpu.dimension_semantics<core_parallel>, #tpu.dimension_semantics<subcore_parallel>], iteration_bounds = array<i64: 2, 16>, scalar_prefetch = 0 : i64, scratch_operands = 3 : i64, tpu.core_type = #tpu.core_type<sc_vector_subcore>, window_params = [{transform_indices = #map}, {transform_indices = #map}, {transform_indices = #map}]} {
    %mul3A = arith.constant 2 : i32
    %mul3A_0 = arith.muli %arg1, %mul3A : i32
    %add3A = arith.addi %mul3A_0, %arg0 : i32
    %mul3A_1 = arith.constant 512 : i32
    %mul3A_2 = arith.muli %add3A, %mul3A_1 : i32
    %mul3A_3 = arith.constant 4 : i32
    %mul3A_4 = arith.muli %add3A, %mul3A_3 : i32
    "tpu.region"() ({
      %run_scoped3A = tpu.sem_alloc : memref<!tpu.dma_semaphore, #tpu.memory_space<semaphore_mem>>
      %dma_start3A_67 = arith.constant 0 : i32
      %dma_start3A_68 = tpu.memref_slice %arg3[%mul3A_4, %dma_start3A_67] : memref<128x128xi32, #tpu.memory_space<hbm>> -> memref<4x128xi32, #tpu.memory_space<hbm>>
      %dma_start3A_69 = arith.constant 0 : i32
      %dma_start3A_70 = tpu.memref_slice %arg3[%mul3A_4, %dma_start3A_69] : memref<128x128xi32, #tpu.memory_space<hbm>> -> memref<4x128xi32, #tpu.memory_space<hbm>>
      tpu.enqueue_dma source(%dma_start3A_70 : memref<4x128xi32, #tpu.memory_space<hbm>>) target(%arg5 : memref<4x128xi32, #tpu.memory_space<vmem>>) target_semaphore(%run_scoped3A : memref<!tpu.dma_semaphore, #tpu.memory_space<semaphore_mem>>)
      %dma_wait3A_71 = arith.constant 0 : i32
      %dma_wait3A_72 = tpu.memref_slice %arg3[%mul3A_4, %dma_wait3A_71] : memref<128x128xi32, #tpu.memory_space<hbm>> -> memref<4x128xi32, #tpu.memory_space<hbm>>
      %dma_wait3A_73 = arith.constant 0 : i32
      %dma_wait3A_74 = tpu.memref_slice %arg3[%mul3A_4, %dma_wait3A_73] : memref<128x128xi32, #tpu.memory_space<hbm>> -> memref<4x128xi32, #tpu.memory_space<hbm>>
      tpu.wait_dma2 semaphore(%run_scoped3A : memref<!tpu.dma_semaphore, #tpu.memory_space<semaphore_mem>>) src(%dma_wait3A_74 : memref<4x128xi32, #tpu.memory_space<hbm>>) dst(%arg5 : memref<4x128xi32, #tpu.memory_space<vmem>>)
      tpu.yield
    }) : () -> ()
    %dma_start3A = arith.constant 0 : i32
    %dma_start3A_5 = arith.constant 0 : i32
    %dma_start3A_6 = tpu.memref_slice %arg5[%dma_start3A, %dma_start3A_5] : memref<4x128xi32, #tpu.memory_space<vmem>> -> memref<1x128xi32, #tpu.memory_space<vmem>>
    %dma_start3A_7 = tpu.memref_squeeze %dma_start3A_6 : memref<1x128xi32, #tpu.memory_space<vmem>> -> memref<128xi32, #tpu.memory_space<vmem>>
    %dma_start3A_8 = arith.constant 0 : i32
    %dma_start3A_9 = arith.constant 0 : i32
    %dma_start3A_10 = tpu.memref_slice %arg2[%dma_start3A_8, %dma_start3A_9] : memref<8192x256xf32, #tpu.memory_space<hbm>> -> memref<8192x256xf32, #tpu.memory_space<hbm>>
    tpu.enqueue_indirect_dma source(%dma_start3A_10 : memref<8192x256xf32, #tpu.memory_space<hbm>>) target(%arg6 : memref<128x256xf32, #tpu.memory_space<vmem>>) offsets(%dma_start3A_7 : memref<128xi32, #tpu.memory_space<vmem>>) semaphore(%arg7 : memref<!tpu.dma_semaphore, #tpu.memory_space<semaphore_mem>>)
    %dma_wait3A = arith.constant 0 : i32
    %dma_wait3A_11 = arith.constant 0 : i32
    %dma_wait3A_12 = tpu.memref_slice %arg5[%dma_wait3A, %dma_wait3A_11] : memref<4x128xi32, #tpu.memory_space<vmem>> -> memref<1x128xi32, #tpu.memory_space<vmem>>
    %dma_wait3A_13 = tpu.memref_squeeze %dma_wait3A_12 : memref<1x128xi32, #tpu.memory_space<vmem>> -> memref<128xi32, #tpu.memory_space<vmem>>
    %dma_wait3A_14 = arith.constant 0 : i32
    %dma_wait3A_15 = arith.constant 0 : i32
    %dma_wait3A_16 = tpu.memref_slice %arg2[%dma_wait3A_14, %dma_wait3A_15] : memref<8192x256xf32, #tpu.memory_space<hbm>> -> memref<8192x256xf32, #tpu.memory_space<hbm>>
    tpu.wait_indirect_dma semaphore(%arg7 : memref<!tpu.dma_semaphore, #tpu.memory_space<semaphore_mem>>) src(%dma_wait3A_16 : memref<8192x256xf32, #tpu.memory_space<hbm>>) dst(%arg6 : memref<128x256xf32, #tpu.memory_space<vmem>>)
    %add3A_17 = arith.constant 0 : i32
    %add3A_18 = arith.addi %mul3A_2, %add3A_17 : i32
    "tpu.region"() ({
      %run_scoped3A = tpu.sem_alloc : memref<!tpu.dma_semaphore, #tpu.memory_space<semaphore_mem>>
      %dma_start3A_67 = arith.constant 0 : i32
      %dma_start3A_68 = tpu.memref_slice %arg4[%add3A_18, %dma_start3A_67] : memref<16384x256xf32, #tpu.memory_space<hbm>> -> memref<128x256xf32, #tpu.memory_space<hbm>>
      %dma_start3A_69 = arith.constant 0 : i32
      %dma_start3A_70 = tpu.memref_slice %arg4[%add3A_18, %dma_start3A_69] : memref<16384x256xf32, #tpu.memory_space<hbm>> -> memref<128x256xf32, #tpu.memory_space<hbm>>
      tpu.enqueue_dma source(%arg6 : memref<128x256xf32, #tpu.memory_space<vmem>>) target(%dma_start3A_70 : memref<128x256xf32, #tpu.memory_space<hbm>>) target_semaphore(%run_scoped3A : memref<!tpu.dma_semaphore, #tpu.memory_space<semaphore_mem>>)
      %dma_wait3A_71 = arith.constant 0 : i32
      %dma_wait3A_72 = tpu.memref_slice %arg4[%add3A_18, %dma_wait3A_71] : memref<16384x256xf32, #tpu.memory_space<hbm>> -> memref<128x256xf32, #tpu.memory_space<hbm>>
      %dma_wait3A_73 = arith.constant 0 : i32
      %dma_wait3A_74 = tpu.memref_slice %arg4[%add3A_18, %dma_wait3A_73] : memref<16384x256xf32, #tpu.memory_space<hbm>> -> memref<128x256xf32, #tpu.memory_space<hbm>>
      tpu.wait_dma2 semaphore(%run_scoped3A : memref<!tpu.dma_semaphore, #tpu.memory_space<semaphore_mem>>) src(%arg6 : memref<128x256xf32, #tpu.memory_space<vmem>>) dst(%dma_wait3A_74 : memref<128x256xf32, #tpu.memory_space<hbm>>)
      tpu.yield
    }) : () -> ()
    %dma_start3A_19 = arith.constant 1 : i32
    %dma_start3A_20 = arith.constant 0 : i32
    %dma_start3A_21 = tpu.memref_slice %arg5[%dma_start3A_19, %dma_start3A_20] : memref<4x128xi32, #tpu.memory_space<vmem>> -> memref<1x128xi32, #tpu.memory_space<vmem>>
    %dma_start3A_22 = tpu.memref_squeeze %dma_start3A_21 : memref<1x128xi32, #tpu.memory_space<vmem>> -> memref<128xi32, #tpu.memory_space<vmem>>
    %dma_start3A_23 = arith.constant 0 : i32
    %dma_start3A_24 = arith.constant 0 : i32
    %dma_start3A_25 = tpu.memref_slice %arg2[%dma_start3A_23, %dma_start3A_24] : memref<8192x256xf32, #tpu.memory_space<hbm>> -> memref<8192x256xf32, #tpu.memory_space<hbm>>
    tpu.enqueue_indirect_dma source(%dma_start3A_25 : memref<8192x256xf32, #tpu.memory_space<hbm>>) target(%arg6 : memref<128x256xf32, #tpu.memory_space<vmem>>) offsets(%dma_start3A_22 : memref<128xi32, #tpu.memory_space<vmem>>) semaphore(%arg7 : memref<!tpu.dma_semaphore, #tpu.memory_space<semaphore_mem>>)
    %dma_wait3A_26 = arith.constant 1 : i32
    %dma_wait3A_27 = arith.constant 0 : i32
    %dma_wait3A_28 = tpu.memref_slice %arg5[%dma_wait3A_26, %dma_wait3A_27] : memref<4x128xi32, #tpu.memory_space<vmem>> -> memref<1x128xi32, #tpu.memory_space<vmem>>
    %dma_wait3A_29 = tpu.memref_squeeze %dma_wait3A_28 : memref<1x128xi32, #tpu.memory_space<vmem>> -> memref<128xi32, #tpu.memory_space<vmem>>
    %dma_wait3A_30 = arith.constant 0 : i32
    %dma_wait3A_31 = arith.constant 0 : i32
    %dma_wait3A_32 = tpu.memref_slice %arg2[%dma_wait3A_30, %dma_wait3A_31] : memref<8192x256xf32, #tpu.memory_space<hbm>> -> memref<8192x256xf32, #tpu.memory_space<hbm>>
    tpu.wait_indirect_dma semaphore(%arg7 : memref<!tpu.dma_semaphore, #tpu.memory_space<semaphore_mem>>) src(%dma_wait3A_32 : memref<8192x256xf32, #tpu.memory_space<hbm>>) dst(%arg6 : memref<128x256xf32, #tpu.memory_space<vmem>>)
    %add3A_33 = arith.constant 128 : i32
    %add3A_34 = arith.addi %mul3A_2, %add3A_33 : i32
    "tpu.region"() ({
      %run_scoped3A = tpu.sem_alloc : memref<!tpu.dma_semaphore, #tpu.memory_space<semaphore_mem>>
      %dma_start3A_67 = arith.constant 0 : i32
      %dma_start3A_68 = tpu.memref_slice %arg4[%add3A_34, %dma_start3A_67] : memref<16384x256xf32, #tpu.memory_space<hbm>> -> memref<128x256xf32, #tpu.memory_space<hbm>>
      %dma_start3A_69 = arith.constant 0 : i32
      %dma_start3A_70 = tpu.memref_slice %arg4[%add3A_34, %dma_start3A_69] : memref<16384x256xf32, #tpu.memory_space<hbm>> -> memref<128x256xf32, #tpu.memory_space<hbm>>
      tpu.enqueue_dma source(%arg6 : memref<128x256xf32, #tpu.memory_space<vmem>>) target(%dma_start3A_70 : memref<128x256xf32, #tpu.memory_space<hbm>>) target_semaphore(%run_scoped3A : memref<!tpu.dma_semaphore, #tpu.memory_space<semaphore_mem>>)
      %dma_wait3A_71 = arith.constant 0 : i32
      %dma_wait3A_72 = tpu.memref_slice %arg4[%add3A_34, %dma_wait3A_71] : memref<16384x256xf32, #tpu.memory_space<hbm>> -> memref<128x256xf32, #tpu.memory_space<hbm>>
      %dma_wait3A_73 = arith.constant 0 : i32
      %dma_wait3A_74 = tpu.memref_slice %arg4[%add3A_34, %dma_wait3A_73] : memref<16384x256xf32, #tpu.memory_space<hbm>> -> memref<128x256xf32, #tpu.memory_space<hbm>>
      tpu.wait_dma2 semaphore(%run_scoped3A : memref<!tpu.dma_semaphore, #tpu.memory_space<semaphore_mem>>) src(%arg6 : memref<128x256xf32, #tpu.memory_space<vmem>>) dst(%dma_wait3A_74 : memref<128x256xf32, #tpu.memory_space<hbm>>)
      tpu.yield
    }) : () -> ()
    %dma_start3A_35 = arith.constant 2 : i32
    %dma_start3A_36 = arith.constant 0 : i32
    %dma_start3A_37 = tpu.memref_slice %arg5[%dma_start3A_35, %dma_start3A_36] : memref<4x128xi32, #tpu.memory_space<vmem>> -> memref<1x128xi32, #tpu.memory_space<vmem>>
    %dma_start3A_38 = tpu.memref_squeeze %dma_start3A_37 : memref<1x128xi32, #tpu.memory_space<vmem>> -> memref<128xi32, #tpu.memory_space<vmem>>
    %dma_start3A_39 = arith.constant 0 : i32
    %dma_start3A_40 = arith.constant 0 : i32
    %dma_start3A_41 = tpu.memref_slice %arg2[%dma_start3A_39, %dma_start3A_40] : memref<8192x256xf32, #tpu.memory_space<hbm>> -> memref<8192x256xf32, #tpu.memory_space<hbm>>
    tpu.enqueue_indirect_dma source(%dma_start3A_41 : memref<8192x256xf32, #tpu.memory_space<hbm>>) target(%arg6 : memref<128x256xf32, #tpu.memory_space<vmem>>) offsets(%dma_start3A_38 : memref<128xi32, #tpu.memory_space<vmem>>) semaphore(%arg7 : memref<!tpu.dma_semaphore, #tpu.memory_space<semaphore_mem>>)
    %dma_wait3A_42 = arith.constant 2 : i32
    %dma_wait3A_43 = arith.constant 0 : i32
    %dma_wait3A_44 = tpu.memref_slice %arg5[%dma_wait3A_42, %dma_wait3A_43] : memref<4x128xi32, #tpu.memory_space<vmem>> -> memref<1x128xi32, #tpu.memory_space<vmem>>
    %dma_wait3A_45 = tpu.memref_squeeze %dma_wait3A_44 : memref<1x128xi32, #tpu.memory_space<vmem>> -> memref<128xi32, #tpu.memory_space<vmem>>
    %dma_wait3A_46 = arith.constant 0 : i32
    %dma_wait3A_47 = arith.constant 0 : i32
    %dma_wait3A_48 = tpu.memref_slice %arg2[%dma_wait3A_46, %dma_wait3A_47] : memref<8192x256xf32, #tpu.memory_space<hbm>> -> memref<8192x256xf32, #tpu.memory_space<hbm>>
    tpu.wait_indirect_dma semaphore(%arg7 : memref<!tpu.dma_semaphore, #tpu.memory_space<semaphore_mem>>) src(%dma_wait3A_48 : memref<8192x256xf32, #tpu.memory_space<hbm>>) dst(%arg6 : memref<128x256xf32, #tpu.memory_space<vmem>>)
    %add3A_49 = arith.constant 256 : i32
    %add3A_50 = arith.addi %mul3A_2, %add3A_49 : i32
    "tpu.region"() ({
      %run_scoped3A = tpu.sem_alloc : memref<!tpu.dma_semaphore, #tpu.memory_space<semaphore_mem>>
      %dma_start3A_67 = arith.constant 0 : i32
      %dma_start3A_68 = tpu.memref_slice %arg4[%add3A_50, %dma_start3A_67] : memref<16384x256xf32, #tpu.memory_space<hbm>> -> memref<128x256xf32, #tpu.memory_space<hbm>>
      %dma_start3A_69 = arith.constant 0 : i32
      %dma_start3A_70 = tpu.memref_slice %arg4[%add3A_50, %dma_start3A_69] : memref<16384x256xf32, #tpu.memory_space<hbm>> -> memref<128x256xf32, #tpu.memory_space<hbm>>
      tpu.enqueue_dma source(%arg6 : memref<128x256xf32, #tpu.memory_space<vmem>>) target(%dma_start3A_70 : memref<128x256xf32, #tpu.memory_space<hbm>>) target_semaphore(%run_scoped3A : memref<!tpu.dma_semaphore, #tpu.memory_space<semaphore_mem>>)
      %dma_wait3A_71 = arith.constant 0 : i32
      %dma_wait3A_72 = tpu.memref_slice %arg4[%add3A_50, %dma_wait3A_71] : memref<16384x256xf32, #tpu.memory_space<hbm>> -> memref<128x256xf32, #tpu.memory_space<hbm>>
      %dma_wait3A_73 = arith.constant 0 : i32
      %dma_wait3A_74 = tpu.memref_slice %arg4[%add3A_50, %dma_wait3A_73] : memref<16384x256xf32, #tpu.memory_space<hbm>> -> memref<128x256xf32, #tpu.memory_space<hbm>>
      tpu.wait_dma2 semaphore(%run_scoped3A : memref<!tpu.dma_semaphore, #tpu.memory_space<semaphore_mem>>) src(%arg6 : memref<128x256xf32, #tpu.memory_space<vmem>>) dst(%dma_wait3A_74 : memref<128x256xf32, #tpu.memory_space<hbm>>)
      tpu.yield
    }) : () -> ()
    %dma_start3A_51 = arith.constant 3 : i32
    %dma_start3A_52 = arith.constant 0 : i32
    %dma_start3A_53 = tpu.memref_slice %arg5[%dma_start3A_51, %dma_start3A_52] : memref<4x128xi32, #tpu.memory_space<vmem>> -> memref<1x128xi32, #tpu.memory_space<vmem>>
    %dma_start3A_54 = tpu.memref_squeeze %dma_start3A_53 : memref<1x128xi32, #tpu.memory_space<vmem>> -> memref<128xi32, #tpu.memory_space<vmem>>
    %dma_start3A_55 = arith.constant 0 : i32
    %dma_start3A_56 = arith.constant 0 : i32
    %dma_start3A_57 = tpu.memref_slice %arg2[%dma_start3A_55, %dma_start3A_56] : memref<8192x256xf32, #tpu.memory_space<hbm>> -> memref<8192x256xf32, #tpu.memory_space<hbm>>
    tpu.enqueue_indirect_dma source(%dma_start3A_57 : memref<8192x256xf32, #tpu.memory_space<hbm>>) target(%arg6 : memref<128x256xf32, #tpu.memory_space<vmem>>) offsets(%dma_start3A_54 : memref<128xi32, #tpu.memory_space<vmem>>) semaphore(%arg7 : memref<!tpu.dma_semaphore, #tpu.memory_space<semaphore_mem>>)
    %dma_wait3A_58 = arith.constant 3 : i32
    %dma_wait3A_59 = arith.constant 0 : i32
    %dma_wait3A_60 = tpu.memref_slice %arg5[%dma_wait3A_58, %dma_wait3A_59] : memref<4x128xi32, #tpu.memory_space<vmem>> -> memref<1x128xi32, #tpu.memory_space<vmem>>
    %dma_wait3A_61 = tpu.memref_squeeze %dma_wait3A_60 : memref<1x128xi32, #tpu.memory_space<vmem>> -> memref<128xi32, #tpu.memory_space<vmem>>
    %dma_wait3A_62 = arith.constant 0 : i32
    %dma_wait3A_63 = arith.constant 0 : i32
    %dma_wait3A_64 = tpu.memref_slice %arg2[%dma_wait3A_62, %dma_wait3A_63] : memref<8192x256xf32, #tpu.memory_space<hbm>> -> memref<8192x256xf32, #tpu.memory_space<hbm>>
    tpu.wait_indirect_dma semaphore(%arg7 : memref<!tpu.dma_semaphore, #tpu.memory_space<semaphore_mem>>) src(%dma_wait3A_64 : memref<8192x256xf32, #tpu.memory_space<hbm>>) dst(%arg6 : memref<128x256xf32, #tpu.memory_space<vmem>>)
    %add3A_65 = arith.constant 384 : i32
    %add3A_66 = arith.addi %mul3A_2, %add3A_65 : i32
    "tpu.region"() ({
      %run_scoped3A = tpu.sem_alloc : memref<!tpu.dma_semaphore, #tpu.memory_space<semaphore_mem>>
      %dma_start3A_67 = arith.constant 0 : i32
      %dma_start3A_68 = tpu.memref_slice %arg4[%add3A_66, %dma_start3A_67] : memref<16384x256xf32, #tpu.memory_space<hbm>> -> memref<128x256xf32, #tpu.memory_space<hbm>>
      %dma_start3A_69 = arith.constant 0 : i32
      %dma_start3A_70 = tpu.memref_slice %arg4[%add3A_66, %dma_start3A_69] : memref<16384x256xf32, #tpu.memory_space<hbm>> -> memref<128x256xf32, #tpu.memory_space<hbm>>
      tpu.enqueue_dma source(%arg6 : memref<128x256xf32, #tpu.memory_space<vmem>>) target(%dma_start3A_70 : memref<128x256xf32, #tpu.memory_space<hbm>>) target_semaphore(%run_scoped3A : memref<!tpu.dma_semaphore, #tpu.memory_space<semaphore_mem>>)
      %dma_wait3A_71 = arith.constant 0 : i32
      %dma_wait3A_72 = tpu.memref_slice %arg4[%add3A_66, %dma_wait3A_71] : memref<16384x256xf32, #tpu.memory_space<hbm>> -> memref<128x256xf32, #tpu.memory_space<hbm>>
      %dma_wait3A_73 = arith.constant 0 : i32
      %dma_wait3A_74 = tpu.memref_slice %arg4[%add3A_66, %dma_wait3A_73] : memref<16384x256xf32, #tpu.memory_space<hbm>> -> memref<128x256xf32, #tpu.memory_space<hbm>>
      tpu.wait_dma2 semaphore(%run_scoped3A : memref<!tpu.dma_semaphore, #tpu.memory_space<semaphore_mem>>) src(%arg6 : memref<128x256xf32, #tpu.memory_space<vmem>>) dst(%dma_wait3A_74 : memref<128x256xf32, #tpu.memory_space<hbm>>)
      tpu.yield
    }) : () -> ()
    return
  }
}

module attributes {stable_mosaic.version = 14 : i64} {
  func.func @_argmin_body(%arg0: i32, %arg1: memref<512x256xf32, #tpu.memory_space<vmem>>, %arg2: memref<8192x256xf32, #tpu.memory_space<vmem>>, %arg3: memref<1x1x512xf32, #tpu.memory_space<vmem>>, %arg4: memref<1x2736xf32, #tpu.memory_space<vmem>>, %arg5: memref<1x2736xf32, #tpu.memory_space<vmem>>, %arg6: memref<1x2720xf32, #tpu.memory_space<vmem>>, %arg7: memref<1x1x512xi32, #tpu.memory_space<vmem>>, %arg8: memref<1x1xf32, #tpu.memory_space<smem>>) attributes {dimension_semantics = [#tpu.dimension_semantics<arbitrary>], iteration_bounds = array<i64: 32>, scalar_prefetch = 0 : i64, scratch_operands = 0 : i64, tpu.core_type = #tpu.core_type<tc>, window_params = [{transform_indices = @transform_0, window_bounds = array<i64: 512, 256>}, {pipeline_mode = #tpu.pipeline_mode<synchronous>, transform_indices = @transform_1, window_bounds = array<i64: 8192, 256>}, {transform_indices = @transform_2, window_bounds = array<i64: 1, 1, 512>}, {pipeline_mode = #tpu.pipeline_mode<synchronous>, transform_indices = @transform_3, window_bounds = array<i64: 1, 2736>}, {pipeline_mode = #tpu.pipeline_mode<synchronous>, transform_indices = @transform_4, window_bounds = array<i64: 1, 2736>}, {pipeline_mode = #tpu.pipeline_mode<synchronous>, transform_indices = @transform_5, window_bounds = array<i64: 1, 2720>}, {transform_indices = @transform_6, window_bounds = array<i64: 1, 1, 512>}, {transform_indices = @transform_7, window_bounds = array<i64: 1, 1>}]} {
    %eq3A = arith.constant 0 : i32
    %eq3A_0 = arith.cmpi eq, %arg0, %eq3A : i32
    %convert_element_type3A = arith.extui %eq3A_0 : i1 to i32
    %cond3A = arith.constant 0 : i32
    %cond3A_1 = arith.cmpi ne, %convert_element_type3A, %cond3A : i32
    scf.if %cond3A_1 {
      %swap3A_101 = arith.constant 0.000000e+00 : f32
      %swap3A_102 = arith.constant 0 : index
      %swap3A_103 = arith.constant 0 : index
      %swap3A_104 = memref.load %arg8[%swap3A_102, %swap3A_103] : memref<1x1xf32, #tpu.memory_space<smem>>
      memref.store %swap3A_101, %arg8[%swap3A_102, %swap3A_103] : memref<1x1xf32, #tpu.memory_space<smem>>
    } else {
    }
    %get3A = arith.constant 0 : index
    %get3A_2 = arith.constant 0 : index
    %get3A_3 = vector.load %arg1[%get3A, %get3A_2] : memref<512x256xf32, #tpu.memory_space<vmem>>, vector<512x256xf32>
    %get3A_4 = arith.constant 0 : index
    %get3A_5 = arith.constant 0 : index
    %get3A_6 = arith.constant 0 : index
    %get3A_7 = vector.load %arg3[%get3A_4, %get3A_5, %get3A_6] : memref<1x1x512xf32, #tpu.memory_space<vmem>>, vector<1x1x512xf32>
    %get3A_8 = vector.shape_cast %get3A_7 : vector<1x1x512xf32> to vector<512xf32>
    %broadcast_in_dim3A = vector.shape_cast %get3A_8 : vector<512xf32> to vector<512x1xf32>
    %broadcast_in_dim3A_9 = arith.constant 0x7F800000 : f32
    %broadcast_in_dim3A_10 = vector.broadcast %broadcast_in_dim3A_9 : f32 to vector<512xf32>
    %broadcast_in_dim3A_11 = arith.constant 0.000000e+00 : f32
    %broadcast_in_dim3A_12 = vector.broadcast %broadcast_in_dim3A_11 : f32 to vector<512xf32>
    %broadcast_in_dim3A_13 = arith.constant 0 : i32
    %broadcast_in_dim3A_14 = vector.broadcast %broadcast_in_dim3A_13 : i32 to vector<512xi32>
    %get3A_15 = arith.constant 0 : index
    %get3A_16 = arith.constant 0 : index
    %get3A_17 = vector.load %arg2[%get3A_15, %get3A_16] : memref<8192x256xf32, #tpu.memory_space<vmem>>, vector<2736x256xf32>
    %dot_general3A = arith.constant dense<0.000000e+00> : vector<512x2736xf32>
    %dot_general3A_18 = tpu.matmul %get3A_3, %get3A_17, %dot_general3A {dimension_numbers = #tpu.dot_dimension_numbers<[1], [1], [0], [0], [0, 0, 1, 0], [], []>, transpose_lhs_hint = false} : vector<512x256xf32>, vector<2736x256xf32>, vector<512x2736xf32> -> vector<512x2736xf32>
    %mul3A = arith.constant 2.000000e+00 : f32
    %mul3A_19 = vector.broadcast %mul3A : f32 to vector<512x2736xf32>
    %mul3A_20 = arith.mulf %mul3A_19, %dot_general3A_18 : vector<512x2736xf32>
    %sub3A = vector.broadcast %broadcast_in_dim3A : vector<512x1xf32> to vector<512x2736xf32>
    %sub3A_21 = arith.subf %sub3A, %mul3A_20 : vector<512x2736xf32>
    %get3A_22 = arith.constant 0 : index
    %get3A_23 = arith.constant 0 : index
    %get3A_24 = vector.load %arg4[%get3A_22, %get3A_23] : memref<1x2736xf32, #tpu.memory_space<vmem>>, vector<1x2736xf32>
    %add3A = vector.broadcast %get3A_24 : vector<1x2736xf32> to vector<512x2736xf32>
    %add3A_25 = arith.addf %sub3A_21, %add3A : vector<512x2736xf32>
    %reduce_min3A = arith.constant dense<0x7F800000> : vector<512xf32>
    %reduce_min3A_26 = vector.multi_reduction <minimumf>, %add3A_25, %reduce_min3A [1] : vector<512x2736xf32> to vector<512xf32>
    %argmin3A = tpu.reduce_index %add3A_25 {axis = 1 : i32, kind = #tpu.reduction_kind<arg_min>} : vector<512x2736xf32> -> vector<512xi32>
    %add3A_27 = arith.constant 0 : i32
    %add3A_28 = vector.broadcast %add3A_27 : i32 to vector<512xi32>
    %add3A_29 = arith.addi %argmin3A, %add3A_28 : vector<512xi32>
    %lt3A = arith.cmpf olt, %reduce_min3A_26, %broadcast_in_dim3A_10 : vector<512xf32>
    %convert_element_type3A_30 = arith.truncf %reduce_min3A_26 : vector<512xf32> to vector<512xbf16>
    %convert_element_type3A_31 = arith.extf %convert_element_type3A_30 : vector<512xbf16> to vector<512xf32>
    %select_n3A = arith.select %lt3A, %convert_element_type3A_31, %broadcast_in_dim3A_10 : vector<512xi1>, vector<512xf32>
    %select_n3A_32 = arith.select %lt3A, %reduce_min3A_26, %broadcast_in_dim3A_12 : vector<512xi1>, vector<512xf32>
    %select_n3A_33 = arith.select %lt3A, %add3A_29, %broadcast_in_dim3A_14 : vector<512xi1>, vector<512xi32>
    %get3A_34 = arith.constant 2736 : index
    %get3A_35 = arith.constant 0 : index
    %get3A_36 = vector.load %arg2[%get3A_34, %get3A_35] : memref<8192x256xf32, #tpu.memory_space<vmem>>, vector<2736x256xf32>
    %dot_general3A_37 = arith.constant dense<0.000000e+00> : vector<512x2736xf32>
    %dot_general3A_38 = tpu.matmul %get3A_3, %get3A_36, %dot_general3A_37 {dimension_numbers = #tpu.dot_dimension_numbers<[1], [1], [0], [0], [0, 0, 1, 0], [], []>, transpose_lhs_hint = false} : vector<512x256xf32>, vector<2736x256xf32>, vector<512x2736xf32> -> vector<512x2736xf32>
    %mul3A_39 = arith.constant 2.000000e+00 : f32
    %mul3A_40 = vector.broadcast %mul3A_39 : f32 to vector<512x2736xf32>
    %mul3A_41 = arith.mulf %mul3A_40, %dot_general3A_38 : vector<512x2736xf32>
    %sub3A_42 = vector.broadcast %broadcast_in_dim3A : vector<512x1xf32> to vector<512x2736xf32>
    %sub3A_43 = arith.subf %sub3A_42, %mul3A_41 : vector<512x2736xf32>
    %get3A_44 = arith.constant 0 : index
    %get3A_45 = arith.constant 0 : index
    %get3A_46 = vector.load %arg5[%get3A_44, %get3A_45] : memref<1x2736xf32, #tpu.memory_space<vmem>>, vector<1x2736xf32>
    %add3A_47 = vector.broadcast %get3A_46 : vector<1x2736xf32> to vector<512x2736xf32>
    %add3A_48 = arith.addf %sub3A_43, %add3A_47 : vector<512x2736xf32>
    %reduce_min3A_49 = arith.constant dense<0x7F800000> : vector<512xf32>
    %reduce_min3A_50 = vector.multi_reduction <minimumf>, %add3A_48, %reduce_min3A_49 [1] : vector<512x2736xf32> to vector<512xf32>
    %argmin3A_51 = tpu.reduce_index %add3A_48 {axis = 1 : i32, kind = #tpu.reduction_kind<arg_min>} : vector<512x2736xf32> -> vector<512xi32>
    %add3A_52 = arith.constant 2736 : i32
    %add3A_53 = vector.broadcast %add3A_52 : i32 to vector<512xi32>
    %add3A_54 = arith.addi %argmin3A_51, %add3A_53 : vector<512xi32>
    %lt3A_55 = arith.cmpf olt, %reduce_min3A_50, %select_n3A : vector<512xf32>
    %convert_element_type3A_56 = arith.truncf %reduce_min3A_50 : vector<512xf32> to vector<512xbf16>
    %convert_element_type3A_57 = arith.extf %convert_element_type3A_56 : vector<512xbf16> to vector<512xf32>
    %select_n3A_58 = arith.select %lt3A_55, %convert_element_type3A_57, %select_n3A : vector<512xi1>, vector<512xf32>
    %select_n3A_59 = arith.select %lt3A_55, %reduce_min3A_50, %select_n3A_32 : vector<512xi1>, vector<512xf32>
    %select_n3A_60 = arith.select %lt3A_55, %add3A_54, %select_n3A_33 : vector<512xi1>, vector<512xi32>
    %get3A_61 = arith.constant 5472 : index
    %get3A_62 = arith.constant 0 : index
    %get3A_63 = vector.load %arg2[%get3A_61, %get3A_62] : memref<8192x256xf32, #tpu.memory_space<vmem>>, vector<2720x256xf32>
    %dot_general3A_64 = arith.constant dense<0.000000e+00> : vector<512x2720xf32>
    %dot_general3A_65 = tpu.matmul %get3A_3, %get3A_63, %dot_general3A_64 {dimension_numbers = #tpu.dot_dimension_numbers<[1], [1], [0], [0], [0, 0, 1, 0], [], []>, transpose_lhs_hint = false} : vector<512x256xf32>, vector<2720x256xf32>, vector<512x2720xf32> -> vector<512x2720xf32>
    %mul3A_66 = arith.constant 2.000000e+00 : f32
    %mul3A_67 = vector.broadcast %mul3A_66 : f32 to vector<512x2720xf32>
    %mul3A_68 = arith.mulf %mul3A_67, %dot_general3A_65 : vector<512x2720xf32>
    %sub3A_69 = vector.broadcast %broadcast_in_dim3A : vector<512x1xf32> to vector<512x2720xf32>
    %sub3A_70 = arith.subf %sub3A_69, %mul3A_68 : vector<512x2720xf32>
    %get3A_71 = arith.constant 0 : index
    %get3A_72 = arith.constant 0 : index
    %get3A_73 = vector.load %arg6[%get3A_71, %get3A_72] : memref<1x2720xf32, #tpu.memory_space<vmem>>, vector<1x2720xf32>
    %add3A_74 = vector.broadcast %get3A_73 : vector<1x2720xf32> to vector<512x2720xf32>
    %add3A_75 = arith.addf %sub3A_70, %add3A_74 : vector<512x2720xf32>
    %reduce_min3A_76 = arith.constant dense<0x7F800000> : vector<512xf32>
    %reduce_min3A_77 = vector.multi_reduction <minimumf>, %add3A_75, %reduce_min3A_76 [1] : vector<512x2720xf32> to vector<512xf32>
    %argmin3A_78 = tpu.reduce_index %add3A_75 {axis = 1 : i32, kind = #tpu.reduction_kind<arg_min>} : vector<512x2720xf32> -> vector<512xi32>
    %add3A_79 = arith.constant 5472 : i32
    %add3A_80 = vector.broadcast %add3A_79 : i32 to vector<512xi32>
    %add3A_81 = arith.addi %argmin3A_78, %add3A_80 : vector<512xi32>
    %lt3A_82 = arith.cmpf olt, %reduce_min3A_77, %select_n3A_58 : vector<512xf32>
    %select_n3A_83 = arith.select %lt3A_82, %reduce_min3A_77, %select_n3A_59 : vector<512xi1>, vector<512xf32>
    %select_n3A_84 = arith.select %lt3A_82, %add3A_81, %select_n3A_60 : vector<512xi1>, vector<512xi32>
    %swap3A = arith.constant 0 : index
    %swap3A_85 = arith.constant 0 : index
    %swap3A_86 = arith.constant 0 : index
    %swap3A_87 = vector.load %arg7[%swap3A, %swap3A_85, %swap3A_86] : memref<1x1x512xi32, #tpu.memory_space<vmem>>, vector<1x1x512xi32>
    %swap3A_88 = vector.shape_cast %swap3A_87 : vector<1x1x512xi32> to vector<512xi32>
    %swap3A_89 = vector.shape_cast %select_n3A_84 : vector<512xi32> to vector<1x1x512xi32>
    tpu.vector_store %arg7[%swap3A, %swap3A_85, %swap3A_86], %swap3A_89 {strides = array<i32>} : memref<1x1x512xi32, #tpu.memory_space<vmem>>, vector<1x1x512xi32>,
    %get3A_90 = arith.constant 0 : index
    %get3A_91 = arith.constant 0 : index
    %get3A_92 = memref.load %arg8[%get3A_90, %get3A_91] : memref<1x1xf32, #tpu.memory_space<smem>>
    %reduce_sum3A = vector.shape_cast %select_n3A_83 : vector<512xf32> to vector<1x512xf32>
    %reduce_sum3A_93 = arith.constant dense<0.000000e+00> : vector<1xf32>
    %reduce_sum3A_94 = vector.multi_reduction <add>, %reduce_sum3A, %reduce_sum3A_93 [1] : vector<1x512xf32> to vector<1xf32>
    %reduce_sum3A_95 = vector.shape_cast %reduce_sum3A_94 : vector<1xf32> to vector<1x1xf32>
    %reduce_sum3A_96 = vector.extract %reduce_sum3A_95[0, 0] : f32 from vector<1x1xf32>
    %add3A_97 = arith.addf %get3A_92, %reduce_sum3A_96 : f32
    %swap3A_98 = arith.constant 0 : index
    %swap3A_99 = arith.constant 0 : index
    %swap3A_100 = memref.load %arg8[%swap3A_98, %swap3A_99] : memref<1x1xf32, #tpu.memory_space<smem>>
    memref.store %add3A_97, %arg8[%swap3A_98, %swap3A_99] : memref<1x1xf32, #tpu.memory_space<smem>>
    return
  }
  func.func @transform_0(%arg0: i32) -> (i32, i32) {
    %c0_i32 = arith.constant 0 : i32
    %c0_i32_0 = arith.constant 0 : i32
    return %arg0, %c0_i32 : i32, i32
  }
  func.func @transform_1(%arg0: i32) -> (i32, i32) {
    %c0_i32 = arith.constant 0 : i32
    %c0_i32_0 = arith.constant 0 : i32
    %c0_i32_1 = arith.constant 0 : i32
    return %c0_i32, %c0_i32_0 : i32, i32
  }
  func.func @transform_2(%arg0: i32) -> (i32, i32, i32) {
    %c0_i32 = arith.constant 0 : i32
    %c0_i32_0 = arith.constant 0 : i32
    %c0_i32_1 = arith.constant 0 : i32
    return %arg0, %c0_i32, %c0_i32_0 : i32, i32, i32
  }
  func.func @transform_3(%arg0: i32) -> (i32, i32) {
    %c0_i32 = arith.constant 0 : i32
    %c0_i32_0 = arith.constant 0 : i32
    %c0_i32_1 = arith.constant 0 : i32
    return %c0_i32, %c0_i32_0 : i32, i32
  }
  func.func @transform_4(%arg0: i32) -> (i32, i32) {
    %c0_i32 = arith.constant 0 : i32
    %c0_i32_0 = arith.constant 0 : i32
    %c0_i32_1 = arith.constant 0 : i32
    return %c0_i32, %c0_i32_0 : i32, i32
  }
  func.func @transform_5(%arg0: i32) -> (i32, i32) {
    %c0_i32 = arith.constant 0 : i32
    %c0_i32_0 = arith.constant 0 : i32
    %c0_i32_1 = arith.constant 0 : i32
    return %c0_i32, %c0_i32_0 : i32, i32
  }
  func.func @transform_6(%arg0: i32) -> (i32, i32, i32) {
    %c0_i32 = arith.constant 0 : i32
    %c0_i32_0 = arith.constant 0 : i32
    %c0_i32_1 = arith.constant 0 : i32
    return %arg0, %c0_i32, %c0_i32_0 : i32, i32, i32
  }
  func.func @transform_7(%arg0: i32) -> (i32, i32) {
    %c0_i32 = arith.constant 0 : i32
    %c0_i32_0 = arith.constant 0 : i32
    %c0_i32_1 = arith.constant 0 : i32
    return %c0_i32, %c0_i32_0 : i32, i32
  }
}

</mosaic_0001>

<sc_bundles>
// kernel: kernel.4.cloned.1.call-start
scs
__scs_entry_jumppad:
0x0: {  	(pc) =	sbr.rel $0x88, $3  }
0x1: {  	(tag) =	ssettag $0x0;
	lr =	simm.s32 $0x1  }
0x2: {  	[smem:$0x3F9F] =	sst lr;
	_ =	strace $0xD0000000  }
0x3: {  	_ = 	snop  }
0x4: {  	_ = 	snop  }
0x5: {  	_ = 	snop  }
0x6: {  	_ = 	snop  }
0x7: {  	_ = 	snop  }
__scs_overlays_trampoline_lowered:
0x8: {  	[smem:$0x3FAE] =	sst s0  }
0x9: {  	[smem:$0x3FAF] =	sst s1  }
0xa: {  	[smem:$0x3FB0] =	sst s2  }
0xb: {  	[smem:$0x3FB1] =	sst s3  }
0xc: {  	[smem:$0x3FB2] =	sst s4  }
0xd: {  	[smem:$0x3FB3] =	sst s5  }
0xe: {  	[smem:$0x3FB4] =	sst s6  }
0xf: {  	[smem:$0x3FB5] =	sst s7  }
0x10: {  	[smem:$0x3FB6] =	sst s8  }
0x11: {  	[smem:$0x3FB7] =	sst s9;
	s0 =	simm.s32 @!p0 $0x0  }
0x12: {  	s1 =	sld [smem:$0x3F9D];
	s0 =	simm.s32 @p0 $0x1  }
0x13: {  	[smem:$0x3FB8] =	sst s0;
	s0 =	simm.s32 @!p1 $0x0  }
0x14: {  	s2 =	sld [smem:$0x3F9C];
	s0 =	simm.s32 @p1 $0x1  }
0x15: {  	[smem:$0x3FB9] =	sst s0;
	s0 =	simm.s32 @!p2 $0x0  }
0x16: {  	s3 =	sld [smem:$0x3FDB];
	s0 =	simm.s32 @p2 $0x1  }
0x17: {  	s4 =	simm.s32 $0x1BF5;
	[smem:$0x3FBB] =	sst s0  }
0x18: {  	s0 =	sld [smem:$0x3F9E];
	_ =	swait.ge [sflag:s4], $0x0  }
0x19: {  	s7 =	sld [smem:$0x3F9F]  }
0x1a: {  	s8 =	sadd.s32 $0xFFFFE003, lr  }
0x1b: {  	s9 =	sadd.s32 $0xFFFFFEF7, lr;
	s5 =	simm.s32 $0xFFFFFFFF;
	p2 =	slt.u32 s8, $0xFFFFF086  }
0x1c: {  	p1 =	slt.u32 s9, $0xF7A;
	s5 =	simm.s32 @!p2 $0x0  }
0x1d: {  	s5 =	simm.s32 @p1 $0x1;
	p0 =	seq.s32 s7, s2  }
0x1e: {  	s7 =	smul.u32 @!p0 $0xF7A, s2;
	p2 =	seq.s32 @!p0 s5, $0x0  }
0x1f: {  	s9 =	smul.u32 $0xF7A, s1;
	s8 =	simm.s32 @!p0 $0x1BF5;
	p2 =	por !p2, p0  }
0x20: {  	[sflag:s8] =	ssyncset.s32 @!p0 $0xFFFFF086;
	s6 =	sadd.s32 @!p0 s3, s7;
	s7 =	simm.s32 @!p0 $0x108  }
0x21: {  	s3 =	sadd.s32 s3, s9;
	s6 =	sadd.s32 @!p0 $0x88, s6;
	s7 =	simm.s32 @p2 $0x1082  }
0x22: {  	[simem:s7], [sflag:s8] =	dma.local @!p0 [hbm:s6], $0xF7A  }
0x23: {  	s9 =	sor.u32 $0xD0000000, s2;
	s6 =	simm.s32 $0x108;
	_ =	swait.ge @!p0 [sflag:s8], $0x0  }
0x24: {  	s3 =	sadd.s32 $0x88, s3;
	s6 =	simm.s32 @!p1 $0x1082;
	[sflag:s4] =	ssyncset.s32 $0xFFFFF086  }
0x25: {  	[simem:s6], [sflag:s4] =	dma.local [hbm:s3], $0xF7A  }
0x26: {  	[smem:$0x3F9F] =	sst s1;
	(tag) =	ssettag s2;
	_ =	strace s9  }
0x27: {  	s1 =	sld [smem:$0x3FAF]  }
0x28: {  	s2 =	sld [smem:$0x3FB0]  }
0x29: {  	s4 =	sld [smem:$0x3FB2]  }
0x2a: {  	p0 =	seq.s32 s5, $0x0;
	s5 =	sld [smem:$0x3FB3]  }
0x2b: {  	s6 =	sld [smem:$0x3FB4]  }
0x2c: {  	s7 =	sld [smem:$0x3FB5]  }
0x2d: {  	s3 =	simm.s32 $0x108;
	s8 =	sld [smem:$0x3FB6]  }
0x2e: {  	s3 =	simm.s32 @!p0 $0x1082;
	s9 =	sld [smem:$0x3FB7]  }
0x2f: {  	lr =	sadd.s32 s0, s3;
	s0 =	sld [smem:$0x3FAE]  }
0x30: {  	s3 =	sld [smem:$0x3FB1]  }
0x31: {  	[smem:$0x3FBA] =	sst s10  }
0x32: {  	s10 =	sld [smem:$0x3FB8];
	_ =	sdelay $0x3  }
0x33: {  	p0 =	seq.s32 s10, $0x1;
	s10 =	sld [smem:$0x3FBA];
	_ =	sdelay $0x3  }
0x34: {  	[smem:$0x3FBA] =	sst s10  }
0x35: {  	s10 =	sld [smem:$0x3FB9];
	_ =	sdelay $0x3  }
0x36: {  	p1 =	seq.s32 s10, $0x1;
	s10 =	sld [smem:$0x3FBA];
	_ =	sdelay $0x3  }
0x37: {  	[smem:$0x3FBA] =	sst s10  }
0x38: {  	s10 =	sld [smem:$0x3FBB]  }
0x39: {  	_ = 	snop;
	(pc) =	sbr.ind lr, $3  }
0x3a: {  	_ = 	snop  }
0x3b: {  	_ = 	snop  }
0x3c: {  	p2 =	seq.s32 s10, $0x1;
	s10 =	sld [smem:$0x3FBA]  }
0x3d: {  	_ =	shalt  }
0x3e: {  	_ =	shalt  }
0x3f: {  	_ =	shalt  }
0x40: {  	_ =	shalt  }
0x41: {  	_ =	shalt  }
0x42: {  	_ =	shalt  }
0x43: {  	_ =	shalt  }
0x44: {  	_ =	shalt  }
0x45: {  	_ =	shalt  }
0x46: {  	_ =	shalt  }
0x47: {  	_ =	shalt  }
0x48: {  	_ =	shalt  }
0x49: {  	_ =	shalt  }
0x4a: {  	_ =	shalt  }
0x4b: {  	_ =	shalt  }
0x4c: {  	_ =	shalt  }
0x4d: {  	_ =	shalt  }
0x4e: {  	_ =	shalt  }
0x4f: {  	_ =	shalt  }
0x50: {  	_ =	shalt  }
0x51: {  	_ =	shalt  }
0x52: {  	_ =	shalt  }
0x53: {  	_ =	shalt  }
0x54: {  	_ =	shalt  }
0x55: {  	_ =	shalt  }
0x56: {  	_ =	shalt  }
0x57: {  	_ =	shalt  }
0x58: {  	_ =	shalt  }
0x59: {  	_ =	shalt  }
0x5a: {  	_ =	shalt  }
0x5b: {  	_ =	shalt  }
0x5c: {  	_ =	shalt  }
0x5d: {  	_ =	shalt  }
0x5e: {  	_ =	shalt  }
0x5f: {  	_ =	shalt  }
0x60: {  	_ =	shalt  }
0x61: {  	_ =	shalt  }
0x62: {  	_ =	shalt  }
0x63: {  	_ =	shalt  }
0x64: {  	_ =	shalt  }
0x65: {  	_ =	shalt  }
0x66: {  	_ =	shalt  }
0x67: {  	_ =	shalt  }
0x68: {  	_ =	shalt  }
0x69: {  	_ =	shalt  }
0x6a: {  	_ =	shalt  }
0x6b: {  	_ =	shalt  }
0x6c: {  	_ =	shalt  }
0x6d: {  	_ =	shalt  }
0x6e: {  	_ =	shalt  }
0x6f: {  	_ =	shalt  }
0x70: {  	_ =	shalt  }
0x71: {  	_ =	shalt  }
0x72: {  	_ =	shalt  }
0x73: {  	_ =	shalt  }
0x74: {  	_ =	shalt  }
0x75: {  	_ =	shalt  }
0x76: {  	_ =	shalt  }
0x77: {  	_ =	shalt  }
0x78: {  	_ =	shalt  }
0x79: {  	_ =	shalt  }
0x7a: {  	_ =	shalt  }
0x7b: {  	_ =	shalt  }
0x7c: {  	_ =	shalt  }
0x7d: {  	_ =	shalt  }
0x7e: {  	_ =	shalt  }
0x7f: {  	_ =	shalt  }
0x80: {  	_ =	shalt  }
0x81: {  	_ =	shalt  }
0x82: {  	_ =	shalt  }
0x83: {  	_ =	shalt  }
0x84: {  	_ =	shalt  }
0x85: {  	_ =	shalt  }
0x86: {  	_ =	shalt  }
0x87: {  	_ =	shalt  }
.Lfunc_end0:
.L_simem_size_0:
called_computation_lowered:
.L_overlay_start_0:
0x88: {  	s2 =	sld [smem:$0x3FD9]  }
0x89: {  	s3 =	sld [smem:$0x3FFE];
	_ =	sdelay $0x1  }
0x8a: {  	s1 =	srdreg.scid  }
0x8b: {  	s0 =	sand.u32 $0x1, s1  }
0x8c: {  	s14 =	sshll.u32 s0, $0xA;
	s2 =	sadd.s32 s3, s2  }
0x8d: {  	s2 =	sadd.s32 s2, s14  }
0x8e: {  	[smem:$0x3FC6] =	sst s2  }
0x8f: {  	_ = 	snop  }
0x90: {  	s2 =	sld [smem:$0x3FD0];
	_ =	sdelay $0x2  }
0x91: {  	s4 =	simm.s32 $0xA;
	s5 =	simm.s32 $0x10;
	s15 =	sld [smem:$0x3FC8]  }
0x92: {  	[smem:s5], [sflag:s4] =	dma.local [hbm:s2], $0x1  }
0x93: {  	_ =	swait.eq [sflag:s4], $0x1  }
0x94: {  	[sflag:s4] =	ssyncset.done $0x0  }
0x95: {  	[sflag:s4] =	ssyncadd.s32 $0xFFFFFFFF  }
0x96: {  	s16 =	sld [smem:$0x10];
	(tm) =	ssettm $0x1  }
0x97: {  	s17 =	sld [smem:$0x3FFB];
	_ =	sdelay $0x3  }
0x98: {  	_ =	strace s17  }
0x99: {  	s4 =	sld [smem:$0x3FFC];
	_ =	sdelay $0x3  }
0x9a: {  	_ =	strace s4  }
0x9b: {  	s4 =	sld [smem:$0x3FFD];
	_ =	sdelay $0x3  }
0x9c: {  	_ =	strace s4  }
0x9d: {  	_ =	strace $0x8FFFFFFF  }
0x9e: {  	s18 =	sld [smem:$0x3FDB];
	_ =	sdelay $0x1  }
0x9f: {  	s19 =	simm.s32 $_scs_section_size  }
0xa0: {  	s6 =	simm.s32 $_size__tile_overlayer_lowered;
	s7 =	simm.s32 $_tile_overlayer_lowered  }
0xa1: {  	s22 =	simm.s32 $0x1BFF;
	s21 =	sshll.u32 s7, $0x1;
	s4 =	sadd.s32 s19, s18  }
0xa2: {  	s8 =	simm.s32 $0x0;
	s20 =	sshll.u32 s6, $0x1;
	s6 =	sadd.s32 s21, s4  }
0xa3: {  	[timem:s8], [sflag:s22] =	dma.local [hbm:s6], s20  }
0xa4: {  	_ =	swait.ge [sflag:s22], s20  }
0xa5: {  	s5 =	ssub.s32 $0x0, s20;
	[sflag:s22] =	ssyncset.done $0x0  }
0xa6: {  	[sflag:s22] =	ssyncadd.s32 s5;
	_ =	sdelay $0x1  }
0xa7: {  	s23 =	simm.s32 $0x1B8B  }
0xa8: {  	_ =	swait.ge [sflag:s23], $0x1  }
0xa9: {  	[sflag:s23] =	ssyncset.done $0x0  }
0xaa: {  	s25 =	simm.s32 $0x1B8E;
	s24 =	sld [smem:$0x3FFE];
	[sflag:s23] =	ssyncadd.s32 $0xFFFFFFFF  }
0xab: {  	s26 =	simm.s32 $execute0_lowered;
	[smem:$0x3FD2] =	sst s25  }
0xac: {  	s6 =	sshll.u32 s26, $0x1;
	_ =	strace $0x80000046;
	[dreg:$0x1] =	wrdreg $0xFFFFFFFF  }
0xad: {  	s28 =	simm.s32 $_size_execute0_lowered;
	s4 =	sadd.s32 s4, s6;
	[dreg:$0x0] =	wrdreg $0x0  }
0xae: {  	s6 =	sshll.u32 s28, $0x1;
	[dreg:$0x2] =	wrdreg s4  }
0xaf: {  	[dreg:$0x3] =	wrdreg s6  }
0xb0: {  	[dreg:$0x4] =	wrdreg $0xC0  }
0xb1: {  	_ =	task [dreg:s8], $0x5FFFF  }
0xb2: {  	[dreg:$0x1] =	wrdreg $0xFFFFFFFF  }
0xb3: {  	[dreg:$0x0] =	wrdreg $0x60  }
0xb4: {  	[dreg:$0x2] =	wrdreg s15  }
0xb5: {  	[dreg:$0x3] =	wrdreg s24  }
0xb6: {  	[dreg:$0x4] =	wrdreg s16  }
0xb7: {  	[dreg:$0x5] =	wrdreg $0x9  }
0xb8: {  	_ =	task.clear_ibuf [dreg:s8], $0x6FFFF;
	_ =	strace $0x90000046  }
0xb9: {  	s29 =	simm.s32 $0x9;
	_ =	strace $0x80000048  }
0xba: {  	_ =	swait.ge [sflag:s29], $0x1  }
0xbb: {  	[sflag:s29] =	ssyncadd.s32 $0xFFFFFFFF  }
0xbc: {  	_ =	strace $0x90000048  }
0xbd: {  	_ =	sfence  }
0xbe: {  	s30 =	sld [smem:$0x0];
	_ =	sdelay $0x2  }
0xbf: {  	s31 =	sshll.u32 s1, $0xD;
	s1 =	sshrl.u32 s1, $0x2  }
0xc0: {  	s3 =	sand.u32 $0x4000, s31;
	s1 =	sadd.s32 s1, s30  }
0xc1: {  	s0 =	sor.u32 s3, s0;
	s1 =	sshll.u32 s1, $0x11  }
0xc2: {  	s0 =	sor.u32 s1, s0  }
0xc3: {  	s0 =	sadd.s32 $0x8F2B, s0  }
0xc4: {  	[sflag:s0] =	ssyncadd.remote.s32 $0x1  }
0xc5: {  	_ =	sfence.sel $0xFFFF  }
0xc6: {  	[dreg:$0x0] =	wrdreg $0xFFFFFFFF;
	(pc) =	sbr.abs _section_cstart, $3  }
0xc7: {  	[dreg:$0x1] =	wrdreg $0xFFFFFFFF  }
0xc8: {  	_ =	task.clear_ibuf [dreg:s8], $0x2FFFF;
	_ =	strace $0x9FFFFFFF  }
0xc9: {  	(tm) =	ssettm $0x7FFFFFFF  }
tec
execute0_lowered:
.L_overlay_start_1:
0x0: {  	(tag) =	ssettag $0x1  }
0x1: {  	s1 =	rddreg [dreg:$0x0]  }
0x2: {  	s4 =	rddreg [dreg:$0x1]  }
0x3: {  	s5 =	rddreg [dreg:$0x2]  }
0x4: {  	s0 =	rddreg [dreg:$0x3];
	s2 =	simm.s32 $0x0  }
0x5: {  	s3 =	srdreg.scid;
	s11 =	simm.s32 $0x200;
	s12 =	simm.s32 $0xA00  }
0x6: {  	s13 =	simm.s32 $0x1200;
	s14 =	simm.s32 $0x1A00;
	s15 =	simm.s32 $0x2200  }
0x7: {  	s16 =	simm.s32 $0x2A00;
	s17 =	simm.s32 $0x3200;
	s18 =	simm.s32 $0x3A00  }
0x8: {  	s19 =	simm.s32 $0x4200;
	s20 =	simm.s32 $0x4A00;
	s21 =	simm.s32 $0x5200  }
0x9: {  	s22 =	simm.s32 $0x5A00;
	s23 =	simm.s32 $0x6200;
	s24 =	simm.s32 $0x6A00  }
0xa: {  	s25 =	simm.s32 $0x7200;
	s26 =	simm.s32 $0x7A00;
	s28 =	simm.s32 $0x1  }
0xb: {  	[smem:$0x7FF] =	sst s2;
	s6 =	sand.u32 $0x1, s3;
	s3 =	stileid.u32  }
0xc: {  	_ =	strace $0x80000047;
	s7 =	sshll.u32 s6, $0x6;
	s30 =	sshll.u32 s3, $0xF  }
0xd: {  	s8 =	sshll.u32 s6, $0xE;
	s6 =	ssub.s32 $0x2, s6;
	s9 =	sshll.u32 s3, $0x7  }
0xe: {  	s4 =	sadd.s32 s7, s4;
	s7 =	sor.u32 s8, s30;
	s31 =	sshrl.u32 s6, $0x1  }
0xf: {  	v2 =	vlaneseq.u32;
	s9 =	sadd.s32 s9, s4;
	s4 =	sadd.s32 s5, s7;
	s10 =	ssub.s32 s6, s31  }
0x10: {  	vm0 =	vmmov $0xffff;
	v1 =	vshrl.u32 v2, $0x3;
	s5 =	sadd.s32 $0x800, s9;
	s6 =	sadd.s32 $0x1000, s4;
	s7 =	sadd.s32 $0x2000, s4  }
0x11: {  	v0 =	vand.u32 $0x7, v2;
	v2 =	vor.u32 $0x8, v2;
	v1 =	vmul.u32 $0x8, v1;
	s8 =	sadd.s32 $0x3000, s4;
	s9 =	smax.u32 s10, $0x1;
	s10 =	simm.s32 $0x2  }
.LBB2_1:
0x12: {  	[tilespmem:s2], [sflag:$0x2] =	stream.linear.gather [hbm4b:s5+s2], $0x200, $0x38;
	[tilespmem:$0x8200] =	vst v63  }
0x13: {  	_ =	swait.ge [sflag:s10], $0x200  }
0x14: {  	[sflag:s10] =	ssyncset.done $0x0  }
0x15: {  	[sflag:s10] =	ssyncadd.s32 $0xFFFFFE00  }
0x16: {  	v3 =	vld [tilespmem:$0x0];
	_ =	sdelay $0x4  }
0x17: {  	v4 =	vshll.u32 v3, $0x1  }
0x18: {  	v3 =	vand.u32 $0x7, v3;
	v4 =	vand.u32 $0xFFFFFFF0, v4  }
0x19: {  	v3 =	vor.u32 v3, v4  }
0x1a: {  	v4 =	vperm.xlane v3, v0;
	_ =	sdelay $0x1  }
0x1b: {  	v3 =	vperm.xlane v3, v2;
	v4 =	vadd.s32 v1, v4;
	_ =	sdelay $0x1  }
0x1c: {  	v3 =	vadd.s32 v1, v3;
	_ =	sdelay $0x2  }
0x1d: {  	[tilespmem:s11], [sflag:$0x1] =	stream.indirect_vreg.gather [hbm4b:s1+s2], $0x80, v4, vm0, $0xb8;
	[tilespmem:$0x8200] =	vst v63  }
0x1e: {  	_ = 	snop  }
0x1f: {  	[tilespmem:s12], [sflag:$0x1] =	stream.indirect_vreg.gather [hbm4b:s1+s2], $0x80, v3, vm0, $0xb8;
	[tilespmem:$0x8200] =	vst v63  }
0x20: {  	v3 =	vld [tilespmem:$0x10];
	_ =	sdelay $0x4  }
0x21: {  	v33 =	vshll.u32 v3, $0x1  }
0x22: {  	v3 =	vand.u32 $0x7, v3;
	v4 =	vand.u32 $0xFFFFFFF0, v33  }
0x23: {  	v3 =	vor.u32 v3, v4  }
0x24: {  	v4 =	vperm.xlane v3, v0;
	_ =	sdelay $0x1  }
0x25: {  	v3 =	vperm.xlane v3, v2;
	v4 =	vadd.s32 v1, v4;
	_ =	sdelay $0x1  }
0x26: {  	v3 =	vadd.s32 v1, v3;
	_ =	sdelay $0x2  }
0x27: {  	[tilespmem:s13], [sflag:$0x1] =	stream.indirect_vreg.gather [hbm4b:s1+s2], $0x80, v4, vm0, $0xb8;
	[tilespmem:$0x8200] =	vst v63  }
0x28: {  	_ = 	snop  }
0x29: {  	[tilespmem:s14], [sflag:$0x1] =	stream.indirect_vreg.gather [hbm4b:s1+s2], $0x80, v3, vm0, $0xb8;
	[tilespmem:$0x8200] =	vst v63  }
0x2a: {  	v3 =	vld [tilespmem:$0x20];
	_ =	sdelay $0x4  }
0x2b: {  	v34 =	vshll.u32 v3, $0x1  }
0x2c: {  	v3 =	vand.u32 $0x7, v3;
	v4 =	vand.u32 $0xFFFFFFF0, v34  }
0x2d: {  	v3 =	vor.u32 v3, v4  }
0x2e: {  	v4 =	vperm.xlane v3, v0;
	_ =	sdelay $0x1  }
0x2f: {  	v3 =	vperm.xlane v3, v2;
	v4 =	vadd.s32 v1, v4;
	_ =	sdelay $0x1  }
0x30: {  	v3 =	vadd.s32 v1, v3;
	_ =	sdelay $0x2  }
0x31: {  	[tilespmem:s15], [sflag:$0x1] =	stream.indirect_vreg.gather [hbm4b:s1+s2], $0x80, v4, vm0, $0xb8;
	[tilespmem:$0x8200] =	vst v63  }
0x32: {  	_ = 	snop  }
0x33: {  	[tilespmem:s16], [sflag:$0x1] =	stream.indirect_vreg.gather [hbm4b:s1+s2], $0x80, v3, vm0, $0xb8;
	[tilespmem:$0x8200] =	vst v63  }
0x34: {  	v3 =	vld [tilespmem:$0x30];
	_ =	sdelay $0x4  }
0x35: {  	v35 =	vshll.u32 v3, $0x1  }
0x36: {  	v3 =	vand.u32 $0x7, v3;
	v4 =	vand.u32 $0xFFFFFFF0, v35  }
0x37: {  	v3 =	vor.u32 v3, v4  }
0x38: {  	v4 =	vperm.xlane v3, v0;
	_ =	sdelay $0x1  }
0x39: {  	v3 =	vperm.xlane v3, v2;
	v4 =	vadd.s32 v1, v4;
	_ =	sdelay $0x1  }
0x3a: {  	v3 =	vadd.s32 v1, v3;
	_ =	sdelay $0x2  }
0x3b: {  	[tilespmem:s17], [sflag:$0x1] =	stream.indirect_vreg.gather [hbm4b:s1+s2], $0x80, v4, vm0, $0xb8;
	[tilespmem:$0x8200] =	vst v63  }
0x3c: {  	_ = 	snop  }
0x3d: {  	[tilespmem:s18], [sflag:$0x1] =	stream.indirect_vreg.gather [hbm4b:s1+s2], $0x80, v3, vm0, $0xb8;
	[tilespmem:$0x8200] =	vst v63  }
0x3e: {  	v3 =	vld [tilespmem:$0x40];
	_ =	sdelay $0x4  }
0x3f: {  	v36 =	vshll.u32 v3, $0x1  }
0x40: {  	v3 =	vand.u32 $0x7, v3;
	v4 =	vand.u32 $0xFFFFFFF0, v36  }
0x41: {  	v3 =	vor.u32 v3, v4  }
0x42: {  	v4 =	vperm.xlane v3, v0;
	_ =	sdelay $0x1  }
0x43: {  	v3 =	vperm.xlane v3, v2;
	v4 =	vadd.s32 v1, v4;
	_ =	sdelay $0x1  }
0x44: {  	v3 =	vadd.s32 v1, v3;
	_ =	sdelay $0x2  }
0x45: {  	[tilespmem:s19], [sflag:$0x1] =	stream.indirect_vreg.gather [hbm4b:s1+s2], $0x80, v4, vm0, $0xb8;
	[tilespmem:$0x8200] =	vst v63  }
0x46: {  	_ = 	snop  }
0x47: {  	[tilespmem:s20], [sflag:$0x1] =	stream.indirect_vreg.gather [hbm4b:s1+s2], $0x80, v3, vm0, $0xb8;
	[tilespmem:$0x8200] =	vst v63  }
0x48: {  	v3 =	vld [tilespmem:$0x50];
	_ =	sdelay $0x4  }
0x49: {  	v37 =	vshll.u32 v3, $0x1  }
0x4a: {  	v3 =	vand.u32 $0x7, v3;
	v4 =	vand.u32 $0xFFFFFFF0, v37  }
0x4b: {  	v3 =	vor.u32 v3, v4  }
0x4c: {  	v4 =	vperm.xlane v3, v0;
	_ =	sdelay $0x1  }
0x4d: {  	v3 =	vperm.xlane v3, v2;
	v4 =	vadd.s32 v1, v4;
	_ =	sdelay $0x1  }
0x4e: {  	v3 =	vadd.s32 v1, v3;
	_ =	sdelay $0x2  }
0x4f: {  	[tilespmem:s21], [sflag:$0x1] =	stream.indirect_vreg.gather [hbm4b:s1+s2], $0x80, v4, vm0, $0xb8;
	[tilespmem:$0x8200] =	vst v63  }
0x50: {  	_ = 	snop  }
0x51: {  	[tilespmem:s22], [sflag:$0x1] =	stream.indirect_vreg.gather [hbm4b:s1+s2], $0x80, v3, vm0, $0xb8;
	[tilespmem:$0x8200] =	vst v63  }
0x52: {  	v3 =	vld [tilespmem:$0x60];
	_ =	sdelay $0x4  }
0x53: {  	v38 =	vshll.u32 v3, $0x1  }
0x54: {  	v3 =	vand.u32 $0x7, v3;
	v4 =	vand.u32 $0xFFFFFFF0, v38  }
0x55: {  	v3 =	vor.u32 v3, v4  }
0x56: {  	v4 =	vperm.xlane v3, v0;
	_ =	sdelay $0x1  }
0x57: {  	v3 =	vperm.xlane v3, v2;
	v4 =	vadd.s32 v1, v4;
	_ =	sdelay $0x1  }
0x58: {  	v3 =	vadd.s32 v1, v3;
	_ =	sdelay $0x2  }
0x59: {  	[tilespmem:s23], [sflag:$0x1] =	stream.indirect_vreg.gather [hbm4b:s1+s2], $0x80, v4, vm0, $0xb8;
	[tilespmem:$0x8200] =	vst v63  }
0x5a: {  	_ = 	snop  }
0x5b: {  	[tilespmem:s24], [sflag:$0x1] =	stream.indirect_vreg.gather [hbm4b:s1+s2], $0x80, v3, vm0, $0xb8;
	[tilespmem:$0x8200] =	vst v63  }
0x5c: {  	v3 =	vld [tilespmem:$0x70];
	_ =	sdelay $0x4  }
0x5d: {  	v39 =	vshll.u32 v3, $0x1  }
0x5e: {  	v3 =	vand.u32 $0x7, v3;
	v4 =	vand.u32 $0xFFFFFFF0, v39  }
0x5f: {  	v3 =	vor.u32 v3, v4  }
0x60: {  	v4 =	vperm.xlane v3, v0;
	_ =	sdelay $0x1  }
0x61: {  	v3 =	vperm.xlane v3, v2;
	v4 =	vadd.s32 v1, v4;
	_ =	sdelay $0x1  }
0x62: {  	v3 =	vadd.s32 v1, v3;
	_ =	sdelay $0x2  }
0x63: {  	[tilespmem:s25], [sflag:$0x1] =	stream.indirect_vreg.gather [hbm4b:s1+s2], $0x80, v4, vm0, $0xb8;
	[tilespmem:$0x8200] =	vst v63  }
0x64: {  	_ = 	snop  }
0x65: {  	[tilespmem:s26], [sflag:$0x1] =	stream.indirect_vreg.gather [hbm4b:s1+s2], $0x80, v3, vm0, $0xb8;
	[tilespmem:$0x8200] =	vst v63  }
0x66: {  	_ =	swait.ge [sflag:s28], $0x8000  }
0x67: {  	[sflag:s28] =	ssyncset.done $0x0  }
0x68: {  	[sflag:s28] =	ssyncadd.s32 $0xFFFF8000  }
0x69: {  	[hbm4b:s4+s2] =	stream.linear.scatter [tilespmem:s11], [sflag:$0x2], $0x8000, $0x38;
	[tilespmem:$0x8200] =	vst v63  }
0x6a: {  	_ =	swait.ge [sflag:s10], $0x8000  }
0x6b: {  	[sflag:s10] =	ssyncset.done $0x0  }
0x6c: {  	[sflag:s10] =	ssyncadd.s32 $0xFFFF8000  }
0x6d: {  	v3 =	vld [tilespmem:$0x80];
	_ =	sdelay $0x4  }
0x6e: {  	v40 =	vshll.u32 v3, $0x1  }
0x6f: {  	v3 =	vand.u32 $0x7, v3;
	v4 =	vand.u32 $0xFFFFFFF0, v40  }
0x70: {  	v3 =	vor.u32 v3, v4  }
0x71: {  	v4 =	vperm.xlane v3, v0;
	_ =	sdelay $0x1  }
0x72: {  	v3 =	vperm.xlane v3, v2;
	v4 =	vadd.s32 v1, v4;
	_ =	sdelay $0x1  }
0x73: {  	v3 =	vadd.s32 v1, v3;
	_ =	sdelay $0x2  }
0x74: {  	[tilespmem:s11], [sflag:$0x1] =	stream.indirect_vreg.gather [hbm4b:s1+s2], $0x80, v4, vm0, $0xb8;
	[tilespmem:$0x8200] =	vst v63  }
0x75: {  	_ = 	snop  }
0x76: {  	[tilespmem:s12], [sflag:$0x1] =	stream.indirect_vreg.gather [hbm4b:s1+s2], $0x80, v3, vm0, $0xb8;
	[tilespmem:$0x8200] =	vst v63  }
0x77: {  	v3 =	vld [tilespmem:$0x90];
	_ =	sdelay $0x4  }
0x78: {  	v41 =	vshll.u32 v3, $0x1  }
0x79: {  	v3 =	vand.u32 $0x7, v3;
	v4 =	vand.u32 $0xFFFFFFF0, v41  }
0x7a: {  	v3 =	vor.u32 v3, v4  }
0x7b: {  	v4 =	vperm.xlane v3, v0;
	_ =	sdelay $0x1  }
0x7c: {  	v3 =	vperm.xlane v3, v2;
	v4 =	vadd.s32 v1, v4;
	_ =	sdelay $0x1  }
0x7d: {  	v3 =	vadd.s32 v1, v3;
	_ =	sdelay $0x2  }
0x7e: {  	[tilespmem:s13], [sflag:$0x1] =	stream.indirect_vreg.gather [hbm4b:s1+s2], $0x80, v4, vm0, $0xb8;
	[tilespmem:$0x8200] =	vst v63  }
0x7f: {  	_ = 	snop  }
0x80: {  	[tilespmem:s14], [sflag:$0x1] =	stream.indirect_vreg.gather [hbm4b:s1+s2], $0x80, v3, vm0, $0xb8;
	[tilespmem:$0x8200] =	vst v63  }
0x81: {  	v3 =	vld [tilespmem:$0xA0];
	_ =	sdelay $0x4  }
0x82: {  	v42 =	vshll.u32 v3, $0x1  }
0x83: {  	v3 =	vand.u32 $0x7, v3;
	v4 =	vand.u32 $0xFFFFFFF0, v42  }
0x84: {  	v3 =	vor.u32 v3, v4  }
0x85: {  	v4 =	vperm.xlane v3, v0;
	_ =	sdelay $0x1  }
0x86: {  	v3 =	vperm.xlane v3, v2;
	v4 =	vadd.s32 v1, v4;
	_ =	sdelay $0x1  }
0x87: {  	v3 =	vadd.s32 v1, v3;
	_ =	sdelay $0x2  }
0x88: {  	[tilespmem:s15], [sflag:$0x1] =	stream.indirect_vreg.gather [hbm4b:s1+s2], $0x80, v4, vm0, $0xb8;
	[tilespmem:$0x8200] =	vst v63  }
0x89: {  	_ = 	snop  }
0x8a: {  	[tilespmem:s16], [sflag:$0x1] =	stream.indirect_vreg.gather [hbm4b:s1+s2], $0x80, v3, vm0, $0xb8;
	[tilespmem:$0x8200] =	vst v63  }
0x8b: {  	v3 =	vld [tilespmem:$0xB0];
	_ =	sdelay $0x4  }
0x8c: {  	v43 =	vshll.u32 v3, $0x1  }
0x8d: {  	v3 =	vand.u32 $0x7, v3;
	v4 =	vand.u32 $0xFFFFFFF0, v43  }
0x8e: {  	v3 =	vor.u32 v3, v4  }
0x8f: {  	v4 =	vperm.xlane v3, v0;
	_ =	sdelay $0x1  }
0x90: {  	v3 =	vperm.xlane v3, v2;
	v4 =	vadd.s32 v1, v4;
	_ =	sdelay $0x1  }
0x91: {  	v3 =	vadd.s32 v1, v3;
	_ =	sdelay $0x2  }
0x92: {  	[tilespmem:s17], [sflag:$0x1] =	stream.indirect_vreg.gather [hbm4b:s1+s2], $0x80, v4, vm0, $0xb8;
	[tilespmem:$0x8200] =	vst v63  }
0x93: {  	_ = 	snop  }
0x94: {  	[tilespmem:s18], [sflag:$0x1] =	stream.indirect_vreg.gather [hbm4b:s1+s2], $0x80, v3, vm0, $0xb8;
	[tilespmem:$0x8200] =	vst v63  }
0x95: {  	v3 =	vld [tilespmem:$0xC0];
	_ =	sdelay $0x4  }
0x96: {  	v44 =	vshll.u32 v3, $0x1  }
0x97: {  	v3 =	vand.u32 $0x7, v3;
	v4 =	vand.u32 $0xFFFFFFF0, v44  }
0x98: {  	v3 =	vor.u32 v3, v4  }
0x99: {  	v4 =	vperm.xlane v3, v0;
	_ =	sdelay $0x1  }
0x9a: {  	v3 =	vperm.xlane v3, v2;
	v4 =	vadd.s32 v1, v4;
	_ =	sdelay $0x1  }
0x9b: {  	v3 =	vadd.s32 v1, v3;
	_ =	sdelay $0x2  }
0x9c: {  	[tilespmem:s19], [sflag:$0x1] =	stream.indirect_vreg.gather [hbm4b:s1+s2], $0x80, v4, vm0, $0xb8;
	[tilespmem:$0x8200] =	vst v63  }
0x9d: {  	_ = 	snop  }
0x9e: {  	[tilespmem:s20], [sflag:$0x1] =	stream.indirect_vreg.gather [hbm4b:s1+s2], $0x80, v3, vm0, $0xb8;
	[tilespmem:$0x8200] =	vst v63  }
0x9f: {  	v3 =	vld [tilespmem:$0xD0];
	_ =	sdelay $0x4  }
0xa0: {  	v45 =	vshll.u32 v3, $0x1  }
0xa1: {  	v3 =	vand.u32 $0x7, v3;
	v4 =	vand.u32 $0xFFFFFFF0, v45  }
0xa2: {  	v3 =	vor.u32 v3, v4  }
0xa3: {  	v4 =	vperm.xlane v3, v0;
	_ =	sdelay $0x1  }
0xa4: {  	v3 =	vperm.xlane v3, v2;
	v4 =	vadd.s32 v1, v4;
	_ =	sdelay $0x1  }
0xa5: {  	v3 =	vadd.s32 v1, v3;
	_ =	sdelay $0x2  }
0xa6: {  	[tilespmem:s21], [sflag:$0x1] =	stream.indirect_vreg.gather [hbm4b:s1+s2], $0x80, v4, vm0, $0xb8;
	[tilespmem:$0x8200] =	vst v63  }
0xa7: {  	_ = 	snop  }
0xa8: {  	[tilespmem:s22], [sflag:$0x1] =	stream.indirect_vreg.gather [hbm4b:s1+s2], $0x80, v3, vm0, $0xb8;
	[tilespmem:$0x8200] =	vst v63  }
0xa9: {  	v3 =	vld [tilespmem:$0xE0];
	_ =	sdelay $0x4  }
0xaa: {  	v46 =	vshll.u32 v3, $0x1  }
0xab: {  	v3 =	vand.u32 $0x7, v3;
	v4 =	vand.u32 $0xFFFFFFF0, v46  }
0xac: {  	v3 =	vor.u32 v3, v4  }
0xad: {  	v4 =	vperm.xlane v3, v0;
	_ =	sdelay $0x1  }
0xae: {  	v3 =	vperm.xlane v3, v2;
	v4 =	vadd.s32 v1, v4;
	_ =	sdelay $0x1  }
0xaf: {  	v3 =	vadd.s32 v1, v3;
	_ =	sdelay $0x2  }
0xb0: {  	[tilespmem:s23], [sflag:$0x1] =	stream.indirect_vreg.gather [hbm4b:s1+s2], $0x80, v4, vm0, $0xb8;
	[tilespmem:$0x8200] =	vst v63  }
0xb1: {  	_ = 	snop  }
0xb2: {  	[tilespmem:s24], [sflag:$0x1] =	stream.indirect_vreg.gather [hbm4b:s1+s2], $0x80, v3, vm0, $0xb8;
	[tilespmem:$0x8200] =	vst v63  }
0xb3: {  	v3 =	vld [tilespmem:$0xF0];
	_ =	sdelay $0x4  }
0xb4: {  	v47 =	vshll.u32 v3, $0x1  }
0xb5: {  	v3 =	vand.u32 $0x7, v3;
	v4 =	vand.u32 $0xFFFFFFF0, v47  }
0xb6: {  	v3 =	vor.u32 v3, v4  }
0xb7: {  	v4 =	vperm.xlane v3, v0;
	_ =	sdelay $0x1  }
0xb8: {  	v3 =	vperm.xlane v3, v2;
	v4 =	vadd.s32 v1, v4;
	_ =	sdelay $0x1  }
0xb9: {  	v3 =	vadd.s32 v1, v3;
	_ =	sdelay $0x2  }
0xba: {  	[tilespmem:s25], [sflag:$0x1] =	stream.indirect_vreg.gather [hbm4b:s1+s2], $0x80, v4, vm0, $0xb8;
	[tilespmem:$0x8200] =	vst v63  }
0xbb: {  	_ = 	snop  }
0xbc: {  	[tilespmem:s26], [sflag:$0x1] =	stream.indirect_vreg.gather [hbm4b:s1+s2], $0x80, v3, vm0, $0xb8;
	[tilespmem:$0x8200] =	vst v63  }
0xbd: {  	_ =	swait.ge [sflag:s28], $0x8000  }
0xbe: {  	[sflag:s28] =	ssyncset.done $0x0  }
0xbf: {  	[sflag:s28] =	ssyncadd.s32 $0xFFFF8000  }
0xc0: {  	[hbm4b:s6+s2] =	stream.linear.scatter [tilespmem:s11], [sflag:$0x2], $0x8000, $0x38;
	[tilespmem:$0x8200] =	vst v63  }
0xc1: {  	_ =	swait.ge [sflag:s10], $0x8000  }
0xc2: {  	[sflag:s10] =	ssyncset.done $0x0  }
0xc3: {  	[sflag:s10] =	ssyncadd.s32 $0xFFFF8000  }
0xc4: {  	v3 =	vld [tilespmem:$0x100];
	_ =	sdelay $0x4  }
0xc5: {  	v48 =	vshll.u32 v3, $0x1  }
0xc6: {  	v3 =	vand.u32 $0x7, v3;
	v4 =	vand.u32 $0xFFFFFFF0, v48  }
0xc7: {  	v3 =	vor.u32 v3, v4  }
0xc8: {  	v4 =	vperm.xlane v3, v0;
	_ =	sdelay $0x1  }
0xc9: {  	v3 =	vperm.xlane v3, v2;
	v4 =	vadd.s32 v1, v4;
	_ =	sdelay $0x1  }
0xca: {  	v3 =	vadd.s32 v1, v3;
	_ =	sdelay $0x2  }
0xcb: {  	[tilespmem:s11], [sflag:$0x1] =	stream.indirect_vreg.gather [hbm4b:s1+s2], $0x80, v4, vm0, $0xb8;
	[tilespmem:$0x8200] =	vst v63  }
0xcc: {  	_ = 	snop  }
0xcd: {  	[tilespmem:s12], [sflag:$0x1] =	stream.indirect_vreg.gather [hbm4b:s1+s2], $0x80, v3, vm0, $0xb8;
	[tilespmem:$0x8200] =	vst v63  }
0xce: {  	v3 =	vld [tilespmem:$0x110];
	_ =	sdelay $0x4  }
0xcf: {  	v49 =	vshll.u32 v3, $0x1  }
0xd0: {  	v3 =	vand.u32 $0x7, v3;
	v4 =	vand.u32 $0xFFFFFFF0, v49  }
0xd1: {  	v3 =	vor.u32 v3, v4  }
0xd2: {  	v4 =	vperm.xlane v3, v0;
	_ =	sdelay $0x1  }
0xd3: {  	v3 =	vperm.xlane v3, v2;
	v4 =	vadd.s32 v1, v4;
	_ =	sdelay $0x1  }
0xd4: {  	v3 =	vadd.s32 v1, v3;
	_ =	sdelay $0x2  }
0xd5: {  	[tilespmem:s13], [sflag:$0x1] =	stream.indirect_vreg.gather [hbm4b:s1+s2], $0x80, v4, vm0, $0xb8;
	[tilespmem:$0x8200] =	vst v63  }
0xd6: {  	_ = 	snop  }
0xd7: {  	[tilespmem:s14], [sflag:$0x1] =	stream.indirect_vreg.gather [hbm4b:s1+s2], $0x80, v3, vm0, $0xb8;
	[tilespmem:$0x8200] =	vst v63  }
0xd8: {  	v3 =	vld [tilespmem:$0x120];
	_ =	sdelay $0x4  }
0xd9: {  	v50 =	vshll.u32 v3, $0x1  }
0xda: {  	v3 =	vand.u32 $0x7, v3;
	v4 =	vand.u32 $0xFFFFFFF0, v50  }
0xdb: {  	v3 =	vor.u32 v3, v4  }
0xdc: {  	v4 =	vperm.xlane v3, v0;
	_ =	sdelay $0x1  }
0xdd: {  	v3 =	vperm.xlane v3, v2;
	v4 =	vadd.s32 v1, v4;
	_ =	sdelay $0x1  }
0xde: {  	v3 =	vadd.s32 v1, v3;
	_ =	sdelay $0x2  }
0xdf: {  	[tilespmem:s15], [sflag:$0x1] =	stream.indirect_vreg.gather [hbm4b:s1+s2], $0x80, v4, vm0, $0xb8;
	[tilespmem:$0x8200] =	vst v63  }
0xe0: {  	_ = 	snop  }
0xe1: {  	[tilespmem:s16], [sflag:$0x1] =	stream.indirect_vreg.gather [hbm4b:s1+s2], $0x80, v3, vm0, $0xb8;
	[tilespmem:$0x8200] =	vst v63  }
0xe2: {  	v3 =	vld [tilespmem:$0x130];
	_ =	sdelay $0x4  }
0xe3: {  	v51 =	vshll.u32 v3, $0x1  }
0xe4: {  	v3 =	vand.u32 $0x7, v3;
	v4 =	vand.u32 $0xFFFFFFF0, v51  }
0xe5: {  	v3 =	vor.u32 v3, v4  }
0xe6: {  	v4 =	vperm.xlane v3, v0;
	_ =	sdelay $0x1  }
0xe7: {  	v3 =	vperm.xlane v3, v2;
	v4 =	vadd.s32 v1, v4;
	_ =	sdelay $0x1  }
0xe8: {  	v3 =	vadd.s32 v1, v3;
	_ =	sdelay $0x2  }
0xe9: {  	[tilespmem:s17], [sflag:$0x1] =	stream.indirect_vreg.gather [hbm4b:s1+s2], $0x80, v4, vm0, $0xb8;
	[tilespmem:$0x8200] =	vst v63  }
0xea: {  	_ = 	snop  }
0xeb: {  	[tilespmem:s18], [sflag:$0x1] =	stream.indirect_vreg.gather [hbm4b:s1+s2], $0x80, v3, vm0, $0xb8;
	[tilespmem:$0x8200] =	vst v63  }
0xec: {  	v3 =	vld [tilespmem:$0x140];
	_ =	sdelay $0x4  }
0xed: {  	v52 =	vshll.u32 v3, $0x1  }
0xee: {  	v3 =	vand.u32 $0x7, v3;
	v4 =	vand.u32 $0xFFFFFFF0, v52  }
0xef: {  	v3 =	vor.u32 v3, v4  }
0xf0: {  	v4 =	vperm.xlane v3, v0;
	_ =	sdelay $0x1  }
0xf1: {  	v3 =	vperm.xlane v3, v2;
	v4 =	vadd.s32 v1, v4;
	_ =	sdelay $0x1  }
0xf2: {  	v3 =	vadd.s32 v1, v3;
	_ =	sdelay $0x2  }
0xf3: {  	[tilespmem:s19], [sflag:$0x1] =	stream.indirect_vreg.gather [hbm4b:s1+s2], $0x80, v4, vm0, $0xb8;
	[tilespmem:$0x8200] =	vst v63  }
0xf4: {  	_ = 	snop  }
0xf5: {  	[tilespmem:s20], [sflag:$0x1] =	stream.indirect_vreg.gather [hbm4b:s1+s2], $0x80, v3, vm0, $0xb8;
	[tilespmem:$0x8200] =	vst v63  }
0xf6: {  	v3 =	vld [tilespmem:$0x150];
	_ =	sdelay $0x4  }
0xf7: {  	v53 =	vshll.u32 v3, $0x1  }
0xf8: {  	v3 =	vand.u32 $0x7, v3;
	v4 =	vand.u32 $0xFFFFFFF0, v53  }
0xf9: {  	v3 =	vor.u32 v3, v4  }
0xfa: {  	v4 =	vperm.xlane v3, v0;
	_ =	sdelay $0x1  }
0xfb: {  	v3 =	vperm.xlane v3, v2;
	v4 =	vadd.s32 v1, v4;
	_ =	sdelay $0x1  }
0xfc: {  	v3 =	vadd.s32 v1, v3;
	_ =	sdelay $0x2  }
0xfd: {  	[tilespmem:s21], [sflag:$0x1] =	stream.indirect_vreg.gather [hbm4b:s1+s2], $0x80, v4, vm0, $0xb8;
	[tilespmem:$0x8200] =	vst v63  }
0xfe: {  	_ = 	snop  }
0xff: {  	[tilespmem:s22], [sflag:$0x1] =	stream.indirect_vreg.gather [hbm4b:s1+s2], $0x80, v3, vm0, $0xb8;
	[tilespmem:$0x8200] =	vst v63  }
0x100: {  	v3 =	vld [tilespmem:$0x160];
	_ =	sdelay $0x4  }
0x101: {  	v54 =	vshll.u32 v3, $0x1  }
0x102: {  	v3 =	vand.u32 $0x7, v3;
	v4 =	vand.u32 $0xFFFFFFF0, v54  }
0x103: {  	v3 =	vor.u32 v3, v4  }
0x104: {  	v4 =	vperm.xlane v3, v0;
	_ =	sdelay $0x1  }
0x105: {  	v3 =	vperm.xlane v3, v2;
	v4 =	vadd.s32 v1, v4;
	_ =	sdelay $0x1  }
0x106: {  	v3 =	vadd.s32 v1, v3;
	_ =	sdelay $0x2  }
0x107: {  	[tilespmem:s23], [sflag:$0x1] =	stream.indirect_vreg.gather [hbm4b:s1+s2], $0x80, v4, vm0, $0xb8;
	[tilespmem:$0x8200] =	vst v63  }
0x108: {  	_ = 	snop  }
0x109: {  	[tilespmem:s24], [sflag:$0x1] =	stream.indirect_vreg.gather [hbm4b:s1+s2], $0x80, v3, vm0, $0xb8;
	[tilespmem:$0x8200] =	vst v63  }
0x10a: {  	v3 =	vld [tilespmem:$0x170];
	_ =	sdelay $0x4  }
0x10b: {  	v55 =	vshll.u32 v3, $0x1  }
0x10c: {  	v3 =	vand.u32 $0x7, v3;
	v4 =	vand.u32 $0xFFFFFFF0, v55  }
0x10d: {  	v3 =	vor.u32 v3, v4  }
0x10e: {  	v4 =	vperm.xlane v3, v0;
	_ =	sdelay $0x1  }
0x10f: {  	v3 =	vperm.xlane v3, v2;
	v4 =	vadd.s32 v1, v4;
	_ =	sdelay $0x1  }
0x110: {  	v3 =	vadd.s32 v1, v3;
	_ =	sdelay $0x2  }
0x111: {  	[tilespmem:s25], [sflag:$0x1] =	stream.indirect_vreg.gather [hbm4b:s1+s2], $0x80, v4, vm0, $0xb8;
	[tilespmem:$0x8200] =	vst v63  }
0x112: {  	_ = 	snop  }
0x113: {  	[tilespmem:s26], [sflag:$0x1] =	stream.indirect_vreg.gather [hbm4b:s1+s2], $0x80, v3, vm0, $0xb8;
	[tilespmem:$0x8200] =	vst v63  }
0x114: {  	_ =	swait.ge [sflag:s28], $0x8000  }
0x115: {  	[sflag:s28] =	ssyncset.done $0x0  }
0x116: {  	[sflag:s28] =	ssyncadd.s32 $0xFFFF8000  }
0x117: {  	[hbm4b:s7+s2] =	stream.linear.scatter [tilespmem:s11], [sflag:$0x2], $0x8000, $0x38;
	[tilespmem:$0x8200] =	vst v63  }
0x118: {  	_ =	swait.ge [sflag:s10], $0x8000  }
0x119: {  	[sflag:s10] =	ssyncset.done $0x0  }
0x11a: {  	[sflag:s10] =	ssyncadd.s32 $0xFFFF8000  }
0x11b: {  	v3 =	vld [tilespmem:$0x180];
	_ =	sdelay $0x4  }
0x11c: {  	v56 =	vshll.u32 v3, $0x1  }
0x11d: {  	v3 =	vand.u32 $0x7, v3;
	v4 =	vand.u32 $0xFFFFFFF0, v56  }
0x11e: {  	v3 =	vor.u32 v3, v4  }
0x11f: {  	v4 =	vperm.xlane v3, v0;
	_ =	sdelay $0x1  }
0x120: {  	v3 =	vperm.xlane v3, v2;
	v4 =	vadd.s32 v1, v4;
	_ =	sdelay $0x1  }
0x121: {  	v3 =	vadd.s32 v1, v3;
	_ =	sdelay $0x2  }
0x122: {  	[tilespmem:s11], [sflag:$0x1] =	stream.indirect_vreg.gather [hbm4b:s1+s2], $0x80, v4, vm0, $0xb8;
	[tilespmem:$0x8200] =	vst v63  }
0x123: {  	_ = 	snop  }
0x124: {  	[tilespmem:s12], [sflag:$0x1] =	stream.indirect_vreg.gather [hbm4b:s1+s2], $0x80, v3, vm0, $0xb8;
	[tilespmem:$0x8200] =	vst v63  }
0x125: {  	v3 =	vld [tilespmem:$0x190];
	_ =	sdelay $0x4  }
0x126: {  	v57 =	vshll.u32 v3, $0x1  }
0x127: {  	v3 =	vand.u32 $0x7, v3;
	v4 =	vand.u32 $0xFFFFFFF0, v57  }
0x128: {  	v3 =	vor.u32 v3, v4  }
0x129: {  	v4 =	vperm.xlane v3, v0;
	_ =	sdelay $0x1  }
0x12a: {  	v3 =	vperm.xlane v3, v2;
	v4 =	vadd.s32 v1, v4;
	_ =	sdelay $0x1  }
0x12b: {  	v3 =	vadd.s32 v1, v3;
	_ =	sdelay $0x2  }
0x12c: {  	[tilespmem:s13], [sflag:$0x1] =	stream.indirect_vreg.gather [hbm4b:s1+s2], $0x80, v4, vm0, $0xb8;
	[tilespmem:$0x8200] =	vst v63  }
0x12d: {  	_ = 	snop  }
0x12e: {  	[tilespmem:s14], [sflag:$0x1] =	stream.indirect_vreg.gather [hbm4b:s1+s2], $0x80, v3, vm0, $0xb8;
	[tilespmem:$0x8200] =	vst v63  }
0x12f: {  	v3 =	vld [tilespmem:$0x1A0];
	_ =	sdelay $0x4  }
0x130: {  	v58 =	vshll.u32 v3, $0x1  }
0x131: {  	v3 =	vand.u32 $0x7, v3;
	v4 =	vand.u32 $0xFFFFFFF0, v58  }
0x132: {  	v3 =	vor.u32 v3, v4  }
0x133: {  	v4 =	vperm.xlane v3, v0;
	_ =	sdelay $0x1  }
0x134: {  	v3 =	vperm.xlane v3, v2;
	v4 =	vadd.s32 v1, v4;
	_ =	sdelay $0x1  }
0x135: {  	v3 =	vadd.s32 v1, v3;
	_ =	sdelay $0x2  }
0x136: {  	[tilespmem:s15], [sflag:$0x1] =	stream.indirect_vreg.gather [hbm4b:s1+s2], $0x80, v4, vm0, $0xb8;
	[tilespmem:$0x8200] =	vst v63  }
0x137: {  	_ = 	snop  }
0x138: {  	[tilespmem:s16], [sflag:$0x1] =	stream.indirect_vreg.gather [hbm4b:s1+s2], $0x80, v3, vm0, $0xb8;
	[tilespmem:$0x8200] =	vst v63  }
0x139: {  	v3 =	vld [tilespmem:$0x1B0];
	_ =	sdelay $0x4  }
0x13a: {  	v59 =	vshll.u32 v3, $0x1  }
0x13b: {  	v3 =	vand.u32 $0x7, v3;
	v4 =	vand.u32 $0xFFFFFFF0, v59  }
0x13c: {  	v3 =	vor.u32 v3, v4  }
0x13d: {  	v4 =	vperm.xlane v3, v0;
	_ =	sdelay $0x1  }
0x13e: {  	v3 =	vperm.xlane v3, v2;
	v4 =	vadd.s32 v1, v4;
	_ =	sdelay $0x1  }
0x13f: {  	v3 =	vadd.s32 v1, v3;
	_ =	sdelay $0x2  }
0x140: {  	[tilespmem:s17], [sflag:$0x1] =	stream.indirect_vreg.gather [hbm4b:s1+s2], $0x80, v4, vm0, $0xb8;
	[tilespmem:$0x8200] =	vst v63  }
0x141: {  	_ = 	snop  }
0x142: {  	[tilespmem:s18], [sflag:$0x1] =	stream.indirect_vreg.gather [hbm4b:s1+s2], $0x80, v3, vm0, $0xb8;
	[tilespmem:$0x8200] =	vst v63  }
0x143: {  	v3 =	vld [tilespmem:$0x1C0];
	_ =	sdelay $0x4  }
0x144: {  	v60 =	vshll.u32 v3, $0x1  }
0x145: {  	v3 =	vand.u32 $0x7, v3;
	v4 =	vand.u32 $0xFFFFFFF0, v60  }
0x146: {  	v3 =	vor.u32 v3, v4  }
0x147: {  	v4 =	vperm.xlane v3, v0;
	_ =	sdelay $0x1  }
0x148: {  	v3 =	vperm.xlane v3, v2;
	v4 =	vadd.s32 v1, v4;
	_ =	sdelay $0x1  }
0x149: {  	v3 =	vadd.s32 v1, v3;
	_ =	sdelay $0x2  }
0x14a: {  	[tilespmem:s19], [sflag:$0x1] =	stream.indirect_vreg.gather [hbm4b:s1+s2], $0x80, v4, vm0, $0xb8;
	[tilespmem:$0x8200] =	vst v63  }
0x14b: {  	_ = 	snop  }
0x14c: {  	[tilespmem:s20], [sflag:$0x1] =	stream.indirect_vreg.gather [hbm4b:s1+s2], $0x80, v3, vm0, $0xb8;
	[tilespmem:$0x8200] =	vst v63  }
0x14d: {  	v3 =	vld [tilespmem:$0x1D0];
	_ =	sdelay $0x4  }
0x14e: {  	v61 =	vshll.u32 v3, $0x1  }
0x14f: {  	v3 =	vand.u32 $0x7, v3;
	v4 =	vand.u32 $0xFFFFFFF0, v61  }
0x150: {  	v3 =	vor.u32 v3, v4  }
0x151: {  	v4 =	vperm.xlane v3, v0;
	_ =	sdelay $0x1  }
0x152: {  	v3 =	vperm.xlane v3, v2;
	v4 =	vadd.s32 v1, v4;
	_ =	sdelay $0x1  }
0x153: {  	v3 =	vadd.s32 v1, v3;
	_ =	sdelay $0x2  }
0x154: {  	[tilespmem:s21], [sflag:$0x1] =	stream.indirect_vreg.gather [hbm4b:s1+s2], $0x80, v4, vm0, $0xb8;
	[tilespmem:$0x8200] =	vst v63  }
0x155: {  	_ = 	snop  }
0x156: {  	[tilespmem:s22], [sflag:$0x1] =	stream.indirect_vreg.gather [hbm4b:s1+s2], $0x80, v3, vm0, $0xb8;
	[tilespmem:$0x8200] =	vst v63  }
0x157: {  	v3 =	vld [tilespmem:$0x1E0];
	_ =	sdelay $0x4  }
0x158: {  	v62 =	vshll.u32 v3, $0x1  }
0x159: {  	v3 =	vand.u32 $0x7, v3;
	v4 =	vand.u32 $0xFFFFFFF0, v62  }
0x15a: {  	v3 =	vor.u32 v3, v4  }
0x15b: {  	v4 =	vperm.xlane v3, v0;
	_ =	sdelay $0x1  }
0x15c: {  	v3 =	vperm.xlane v3, v2;
	v4 =	vadd.s32 v1, v4;
	_ =	sdelay $0x1  }
0x15d: {  	v3 =	vadd.s32 v1, v3;
	_ =	sdelay $0x2  }
0x15e: {  	[tilespmem:s23], [sflag:$0x1] =	stream.indirect_vreg.gather [hbm4b:s1+s2], $0x80, v4, vm0, $0xb8;
	[tilespmem:$0x8200] =	vst v63  }
0x15f: {  	_ = 	snop  }
0x160: {  	[tilespmem:s24], [sflag:$0x1] =	stream.indirect_vreg.gather [hbm4b:s1+s2], $0x80, v3, vm0, $0xb8;
	[tilespmem:$0x8200] =	vst v63  }
0x161: {  	v3 =	vld [tilespmem:$0x1F0];
	_ =	sdelay $0x4  }
0x162: {  	v63 =	vshll.u32 v3, $0x1  }
0x163: {  	v3 =	vand.u32 $0x7, v3;
	v4 =	vand.u32 $0xFFFFFFF0, v63  }
0x164: {  	v3 =	vor.u32 v3, v4  }
0x165: {  	v4 =	vperm.xlane v3, v0;
	_ =	sdelay $0x1  }
0x166: {  	v3 =	vperm.xlane v3, v2;
	v4 =	vadd.s32 v1, v4;
	_ =	sdelay $0x1  }
0x167: {  	v3 =	vadd.s32 v1, v3;
	_ =	sdelay $0x2  }
0x168: {  	[tilespmem:s25], [sflag:$0x1] =	stream.indirect_vreg.gather [hbm4b:s1+s2], $0x80, v4, vm0, $0xb8;
	[tilespmem:$0x8200] =	vst v63  }
0x169: {  	_ = 	snop  }
0x16a: {  	[tilespmem:s26], [sflag:$0x1] =	stream.indirect_vreg.gather [hbm4b:s1+s2], $0x80, v3, vm0, $0xb8;
	[tilespmem:$0x8200] =	vst v63  }
0x16b: {  	_ =	swait.ge [sflag:s28], $0x8000  }
0x16c: {  	p0 =	sne.s32 s9, $0x1;
	[sflag:s28] =	ssyncset.done $0x0  }
.Ltmp0:
0x16d: {  	[sflag:s28] =	ssyncadd.s32 $0xFFFF8000;
	(pc) =	sbr.rel @p0 .LBB2_1-.Ltmp0, $4  }
0x16e: {  	[hbm4b:s8+s2] =	stream.linear.scatter [tilespmem:s11], [sflag:$0x2], $0x8000, $0x38;
	[tilespmem:$0x8200] =	vst v63  }
0x16f: {  	_ =	swait.ge [sflag:s10], $0x8000  }
0x170: {  	[sflag:s10] =	ssyncset.done $0x0  }
0x171: {  	s9 =	sadd.s32 $0xFFFFFFFF, s9;
	[sflag:s10] =	ssyncadd.s32 $0xFFFF8000  }
0x172: {  	_ =	sfence.sel $0x180000  }
0x173: {  	[bflag:$0x0] =	sbarrier.arrive $0xFFFF  }
0x174: {  	p0 =	sne.s32 s3, $0x0;
	_ =	strace $0x90000047  }
0x175: {  	s0 =	sadd.s32 @!p0 $0x100000, s0;
	[bflag:$0x2] =	sbarrier.arrive $0xFFFF  }
0x176: {  	[sflag:s0] =	ssyncadd.tile.s32 @!p0 $0x1;
	_ =	shalt  }
.Lfunc_end2:
_tile_overlayer_lowered:
.L_overlay_start_2:
0x177: {  	(tag) =	ssettag $0x2  }
0x178: {  	s0 =	rddreg [dreg:$0x0];
	s2 =	stileid.u32  }
0x179: {  	s1 =	rddreg [dreg:$0x1];
	p0 =	sne.s32 s2, $0x0  }
0x17a: {  	s3 =	rddreg [dreg:$0x2];
	[bflag:$0x3] =	sbarrier.arrive $0xFFFF;
	s2 =	simm.s32 @!p0 $0x1C02  }
0x17b: {  	[timem:s3], [sflag:s2] =	dma.local @!p0 [hbm:s0], s1  }
0x17c: {  	s0 =	simm.s32 @!p0 $0x2  }
0x17d: {  	_ =	swait.ge @!p0 [sflag:s0], s1  }
0x17e: {  	s1 =	ssub.s32 @!p0 $0x0, s1;
	[sflag:s0] =	ssyncset.done @!p0 $0x0  }
0x17f: {  	[sflag:s0] =	ssyncadd.s32 @!p0 s1  }
0x180: {  	[bflag:$0x3] =	sbarrier.arrive $0xFFFF  }
0x181: {  	_ =	shalt  }

</sc_bundles>
